<compile_context>
chip_gen: v7x
topology: tpu7x:2x2x1
jax: 0.10.2.dev20260603
libtpu: 0.0.44.dev20260713+nightly
codegen_flags: <defaults>
</compile_context>

<pallas_src>
import functools

import jax
import jax.numpy as jnp
import numpy as np
from jax import lax
from jax.experimental import pallas as pl
from jax.experimental.pallas import tpu as pltpu
from jax.experimental.pallas import tpu_sc as plsc

GRID = 64
MAP_SIZE = 15000.0
SIGMA = 1.5
SCALE = MAP_SIZE / GRID
R = int(1100 / SCALE)
NUM_CH = 16
B = 512
NB = 8

_TOWER_LOCATIONS = np.array([[8955,8510],[9767,10113],[11134,11207],[11593,11669],[13052,12612],[12611,13084],[5846,6396],[5048,4812],[3651,3696],[3210,3217],[2177,1807],[1748,2270],[4318,13875],[981,10441],[7943,13411],[1512,6699],[1169,4287],[1172,3583],[10481,13650],[11275,13657],[11275,13663],[13866,4505],[10504,1029],[13327,8226],[13624,10572],[6919,1483],[13599,11319],[4281,1253],[3468,1230],[13594,11319]], dtype=np.float32)
_TOWER_GRID = np.clip((_TOWER_LOCATIONS / SCALE).astype(np.int64), 0, GRID - 1)

_ks = int(2 * 4 * SIGMA + 1)
if _ks % 2 == 0:
    _ks += 1
_x = np.arange(_ks, dtype=np.float64) - _ks // 2
_k1d = np.exp(-_x ** 2 / (2 * SIGMA ** 2))
_kn1d = _k1d / _k1d.sum()
_A = np.zeros((GRID, GRID), np.float64)
for _i in range(GRID):
    for _j in range(GRID):
        if abs(_j - _i) <= _ks // 2:
            _A[_i, _j] = _kn1d[_ks // 2 + (_j - _i)]
_Af = _A.astype(np.float32)

_TP = np.zeros((30, GRID * GRID), np.float64)
_TD3 = np.zeros((30, GRID, GRID), np.float32)
_yy, _xx = np.meshgrid(np.arange(GRID), np.arange(GRID), indexing="ij")
for _t in range(30):
    _cx, _cy = int(_TOWER_GRID[_t, 0]), int(_TOWER_GRID[_t, 1])
    _TP[_t, _cy * GRID + _cx] = 1.0
    _disk = ((_xx - _cx) ** 2 + (_yy - _cy) ** 2) <= R * R
    _TD3[_t] = _disk.astype(np.float32)

_M30 = np.eye(30, dtype=np.float32)
_seen = {}
for _t in range(30):
    _cell = (int(_TOWER_GRID[_t, 0]), int(_TOWER_GRID[_t, 1]))
    if _cell in _seen:
        _M30[_t, _t] = 0.0
        _M30[_t, _seen[_cell]] = 1.0
        _TP[_t] = 0.0
    else:
        _seen[_cell] = _t

def _blur2d_flat(mat_flat64):
    out = np.zeros_like(mat_flat64)
    for r in range(mat_flat64.shape[0]):
        img = mat_flat64[r].reshape(GRID, GRID)
        img = _A.T @ img @ _A
        out[r] = img.reshape(-1)
    return out

_TPB = _blur2d_flat(_TP).astype(np.float32)
_drag = np.clip((np.array([10000.0, 5000.0]) / SCALE).astype(np.int64), 0, GRID - 1)
_baron = np.clip((np.array([5000.0, 10000.0]) / SCALE).astype(np.int64), 0, GRID - 1)
_OB = np.zeros((2, GRID * GRID), np.float64)
_OB[0, int(_drag[1]) * GRID + int(_drag[0])] = 1.0
_OB[1, int(_baron[1]) * GRID + int(_baron[0])] = 1.0
_OBB = _blur2d_flat(_OB).astype(np.float32)



def _tc_body(scat_ref, mask_ref, obj_ref, tpb_ref, td3_ref, obb_ref, a_ref,
             m30_ref, stamp_ref, conv_ref):
    alive = (mask_ref[...] <= 0.5).astype(jnp.float32)
    dead = 1.0 - alive
    objb = (obj_ref[...] > 0.5).astype(jnp.float32)
    m30 = m30_ref[...]
    alive_m = jnp.minimum(jax.lax.dot(alive, m30, preferred_element_type=jnp.float32), 1.0)
    dead_m = jnp.minimum(jax.lax.dot(dead, m30, preferred_element_type=jnp.float32), 1.0)
    tpb = tpb_ref[...]
    ch0 = jax.lax.dot(alive_m, tpb, preferred_element_type=jnp.float32)
    ch1 = jax.lax.dot(dead_m, tpb, preferred_element_type=jnp.float32)
    ch3 = jax.lax.dot(objb, obb_ref[...], preferred_element_type=jnp.float32)
    stamp_ref[0, :, :] = ch0
    stamp_ref[1, :, :] = ch1
    stamp_ref[2, :, :] = ch3
    a = a_ref[...]
    ch2 = jnp.zeros((NB, GRID, GRID), jnp.float32)
    for t in range(30):
        a_t = alive[:, t].reshape(NB, 1, 1)
        ch2 = jnp.maximum(ch2, a_t * td3_ref[t][None, :, :])
    canvas = jnp.concatenate([ch2[:, None], scat_ref[...]], axis=1)
    g = NB * 13
    t = jax.lax.dot(canvas.reshape(g * GRID, GRID), a,
                    preferred_element_type=jnp.float32)
    t = jnp.swapaxes(t.reshape(g, GRID, GRID), 1, 2)
    t = jax.lax.dot(t.reshape(g * GRID, GRID), a,
                    preferred_element_type=jnp.float32)
    t = jnp.swapaxes(t.reshape(g, GRID, GRID), 1, 2)
    conv_ref[...] = t.reshape(NB, 13, GRID, GRID)


@functools.partial(jax.jit, static_argnames=("interpret",))
def _tc_stage(scat, dead_towers_mask, obj_status, interpret=False):
    grid = (B // NB,)
    stamp, conv = pl.pallas_call(
        _tc_body,
        grid=grid,
        in_specs=[
            pl.BlockSpec((NB, 12, GRID, GRID), lambda i: (i, 0, 0, 0)),
            pl.BlockSpec((NB, 30), lambda i: (i, 0)),
            pl.BlockSpec((NB, 2), lambda i: (i, 0)),
            pl.BlockSpec((30, GRID * GRID), lambda i: (0, 0)),
            pl.BlockSpec((30, GRID, GRID), lambda i: (0, 0, 0)),
            pl.BlockSpec((2, GRID * GRID), lambda i: (0, 0)),
            pl.BlockSpec((GRID, GRID), lambda i: (0, 0)),
            pl.BlockSpec((30, 30), lambda i: (0, 0)),
        ],
        out_specs=[
            pl.BlockSpec((3, NB, GRID * GRID), lambda i: (0, i, 0)),
            pl.BlockSpec((NB, 13, GRID, GRID), lambda i: (i, 0, 0, 0)),
        ],
        out_shape=[
            jax.ShapeDtypeStruct((3, B, GRID * GRID), jnp.float32),
            jax.ShapeDtypeStruct((B, 13, GRID, GRID), jnp.float32),
        ],
        interpret=interpret,
    )(scat, dead_towers_mask, obj_status, jnp.asarray(_TPB), jnp.asarray(_TD3),
      jnp.asarray(_OBB), jnp.asarray(_Af), jnp.asarray(_M30))
    st = stamp.reshape(3, B, 1, GRID, GRID)
    out = jnp.concatenate(
        [st[0], st[1], conv[:, 0:1], st[2], conv[:, 1:13]], axis=1)
    return out


N_P = 425984
N_K = 131072
N_ALL = N_P + N_K
ROWS_ALL = N_ALL // 128
PW_P = N_P // 32
PW_K = N_K // 32
S_WIN = 524288
N_WIN_PER_SC = 24
TEC_ROWS = ROWS_ALL // 16
FLUSH_W = S_WIN // 16
ZN = 16384

_sc_mesh = plsc.VectorSubcoreMesh(core_axis_name="c", subcore_axis_name="s")


@functools.partial(
    pl.kernel,
    out_type=jax.ShapeDtypeStruct((ROWS_ALL, 128), jnp.int32),
    mesh=_sc_mesh,
    scratch_types=[
        pltpu.VMEM((PW_P // 128, 128), jnp.float32),
        pltpu.VMEM((PW_P // 128, 128), jnp.float32),
        pltpu.VMEM((PW_P // 128, 128), jnp.int32),
        pltpu.VMEM((PW_P // 128, 128), jnp.int32),
        pltpu.VMEM((PW_P // 128, 128), jnp.int32),
    ],
)
def _sc_prep(px, py, pb, pc, kx, ky, kb, kt, idx_out, xb, yb, bb, cb, ob):
    wid = lax.axis_index("s") * 2 + lax.axis_index("c")

    def section(xs, ys, bs, cs, rows, src_row0, dst_row0, coff):
        pltpu.sync_copy(xs.at[pl.ds(src_row0, rows)], xb.at[pl.ds(0, rows)])
        pltpu.sync_copy(ys.at[pl.ds(src_row0, rows)], yb.at[pl.ds(0, rows)])
        pltpu.sync_copy(bs.at[pl.ds(src_row0, rows)], bb.at[pl.ds(0, rows)])
        pltpu.sync_copy(cs.at[pl.ds(src_row0, rows)], cb.at[pl.ds(0, rows)])

        def row_body(r, _):
            for u in range(8):
                sl = pl.ds(u * 16, 16)
                xi = jnp.clip((xb[r, sl] / SCALE).astype(jnp.int32), 0, GRID - 1)
                yi = jnp.clip((yb[r, sl] / SCALE).astype(jnp.int32), 0, GRID - 1)
                c = cb[r, sl] + coff
                flat = bb[r, sl] * (12 * 4096) + c * 4096 + yi * 64 + xi
                ob[r, sl] = flat
            return 0

        lax.fori_loop(0, rows, row_body, 0)
        pltpu.sync_copy(ob.at[pl.ds(0, rows)], idx_out.at[pl.ds(dst_row0, rows)])

    section(px, py, pb, pc, PW_P // 128, wid * (PW_P // 128), wid * (PW_P // 128), 2)
    section(kx, ky, kb, kt, PW_K // 128, wid * (PW_K // 128),
            N_P // 128 + wid * (PW_K // 128), 0)


@functools.partial(
    pl.kernel,
    out_type=jax.ShapeDtypeStruct((B * 12 * GRID * GRID,), jnp.float32),
    mesh=_sc_mesh,
    scratch_types=[
        pltpu.VMEM((TEC_ROWS, 128), jnp.int32),
        pltpu.VMEM((TEC_ROWS, 128), jnp.float32),
        pltpu.VMEM((ZN,), jnp.float32),
        pltpu.VMEM_SHARED((S_WIN,), jnp.float32),
        pltpu.SemaphoreType.DMA,
    ],
)
def _sc_scatter(idx_hbm, val_hbm, out_hbm, idxb, valb, zbuf, win, sem):
    cid = lax.axis_index("c")
    sid = lax.axis_index("s")
    iota = lax.iota(jnp.int32, 16)
    zeros16 = jnp.zeros((16,), jnp.float32)

    def zinit(i, _):
        for u in range(16):
            zbuf[pl.ds((i * 16 + u) * 16, 16)] = zeros16
        return 0

    lax.fori_loop(0, ZN // 256, zinit, 0)

    def round_body(r, _):
        base = (cid * N_WIN_PER_SC + r) * S_WIN
        for j in range(FLUSH_W // ZN):
            pltpu.sync_copy(zbuf, win.at[pl.ds(sid * FLUSH_W + j * ZN, ZN)])
        plsc.subcore_barrier()
        pltpu.sync_copy(idx_hbm.at[pl.ds(sid * TEC_ROWS, TEC_ROWS)], idxb)
        pltpu.sync_copy(val_hbm.at[pl.ds(sid * TEC_ROWS, TEC_ROWS)], valb)

        def xform_fire(it, _):
            for u in range(8):
                row = it * 8 + u
                for v8 in range(8):
                    sl = pl.ds(v8 * 16, 16)
                    fidx = idxb[row, sl]
                    v = valb[row, sl]
                    m = jnp.logical_and(fidx >= base, fidx < base + S_WIN)
                    trash = (row * 128 + v8 * 16 + iota) & (ZN - 1)
                    idxb[row, sl] = jnp.where(m, fidx - base, trash)
                    valb[row, sl] = jnp.where(m, v, 0.0)
            hs = []
            for u in range(8):
                row = it * 8 + u
                hs.append(pltpu.async_copy(valb.at[row], win.at[idxb.at[row]], sem,
                                           add=True))
            for h in hs:
                h.wait()
            return 0

        lax.fori_loop(0, TEC_ROWS // 8, xform_fire, 0)
        plsc.subcore_barrier()
        pltpu.sync_copy(win.at[pl.ds(sid * FLUSH_W, FLUSH_W)],
                        out_hbm.at[pl.ds(base + sid * FLUSH_W, FLUSH_W)])
        return 0

    lax.fori_loop(0, N_WIN_PER_SC, round_body, 0)


def _scatter_canvas(p_coords, p_vals, p_b_idx, p_channels, k_coords, k_vals, k_teams, k_b_idx):
    P = p_vals.shape[0]
    K = k_vals.shape[0]
    padp = N_P - P
    padk = N_K - K
    px = jnp.concatenate([p_coords[:, 0], jnp.zeros((padp,), jnp.float32)])
    py = jnp.concatenate([p_coords[:, 1], jnp.zeros((padp,), jnp.float32)])
    pb = jnp.concatenate([p_b_idx.astype(jnp.int32),
                          jnp.arange(padp, dtype=jnp.int32) % B])
    pc = jnp.concatenate([p_channels.astype(jnp.int32), jnp.zeros((padp,), jnp.int32)])
    pv = jnp.concatenate([p_vals, jnp.zeros((padp,), jnp.float32)])
    kx = jnp.concatenate([k_coords[:, 0], jnp.zeros((padk,), jnp.float32)])
    ky = jnp.concatenate([k_coords[:, 1], jnp.zeros((padk,), jnp.float32)])
    kb = jnp.concatenate([k_b_idx.astype(jnp.int32),
                          jnp.arange(padk, dtype=jnp.int32) % B])
    kt = jnp.concatenate([k_teams.astype(jnp.int32), jnp.zeros((padk,), jnp.int32)])
    kv = jnp.concatenate([k_vals, jnp.zeros((padk,), jnp.float32)])
    r2 = lambda a: a.reshape(a.shape[0] // 128, 128)
    idx2 = _sc_prep(r2(px), r2(py), r2(pb), r2(pc), r2(kx), r2(ky), r2(kb), r2(kt))
    val2 = jnp.concatenate([pv, kv]).reshape(ROWS_ALL, 128)
    scat_flat = _sc_scatter(idx2, val2)
    return scat_flat.reshape(B, 12, GRID, GRID)


def kernel(p_coords, p_vals, p_b_idx, p_channels, dead_towers_mask, k_coords, k_vals, k_teams, k_b_idx, obj_status):
    scat = _scatter_canvas(p_coords, p_vals, p_b_idx, p_channels, k_coords, k_vals, k_teams, k_b_idx)
    return _tc_stage(scat, dead_towers_mask, obj_status)

# --- scband reference (transcript-rebuilt; emitter-appended) ---
"""Pipeline reference for scband-spatial-input-layer-59433757442309 (READ-ONLY COPY).

The authoritative reference and input builder live on the scoring server;
editing this copy changes nothing except your own understanding.
"""

import jax, jax.numpy as jnp
import jax.lax as lax
import numpy as np

GRID_SIZE = 64
MAP_SIZE = 15000.0
SIGMA = 1.5
SCALE = MAP_SIZE / GRID_SIZE
R = int(1100 / SCALE)
NUM_CH = 16
TOWER_LOCATIONS = np.array([[8955,8510],[9767,10113],[11134,11207],[11593,11669],[13052,12612],[12611,13084],[5846,6396],[5048,4812],[3651,3696],[3210,3217],[2177,1807],[1748,2270],[4318,13875],[981,10441],[7943,13411],[1512,6699],[1169,4287],[1172,3583],[10481,13650],[11275,13657],[11275,13663],[13866,4505],[10504,1029],[13327,8226],[13624,10572],[6919,1483],[13599,11319],[4281,1253],[3468,1230],[13594,11319]], dtype=np.float32)
TOWER_GRID = np.clip((TOWER_LOCATIONS / SCALE).astype(np.int64), 0, GRID_SIZE - 1)
_yy, _xx = np.meshgrid(np.arange(-R, R + 1, dtype=np.float32), np.arange(-R, R + 1, dtype=np.float32), indexing='ij')
RANGE_MASK = ((_xx ** 2 + _yy ** 2) <= R ** 2).astype(np.float32)
_ks = int(2 * 4 * SIGMA + 1)
if _ks % 2 == 0:
    _ks += 1
_x = np.arange(_ks, dtype=np.float32) - _ks // 2
_k1d = np.exp(-_x ** 2 / (2 * SIGMA ** 2))
_k2d = _k1d[:, None] * _k1d[None, :]
_k2d = _k2d / _k2d.sum()
KERNEL = np.ascontiguousarray(np.broadcast_to(_k2d[None, None], (NUM_CH, 1, _ks, _ks))).astype(np.float32)
PAD = _ks // 2


def _to_grid(coords):
    c = lax.stop_gradient(coords)
    return jnp.clip((c / SCALE).astype(jnp.int32), 0, GRID_SIZE - 1)


def _forward(p_coords, p_vals, dead_towers_mask, k_coords, k_vals, obj_status, p_b_idx, p_channels, k_teams, k_b_idx):
    B = dead_towers_mask.shape[0]
    canvas = jnp.zeros((B, NUM_CH, GRID_SIZE, GRID_SIZE), jnp.float32)
    for t in range(30):
        cx = int(TOWER_GRID[t, 0]); cy = int(TOWER_GRID[t, 1])
        is_dead = dead_towers_mask[:, t] > 0.5
        is_alive = jnp.logical_not(is_dead)
        canvas = canvas.at[:, 0, cy, cx].set(jnp.where(is_alive, 1.0, canvas[:, 0, cy, cx]))
        canvas = canvas.at[:, 1, cy, cx].set(jnp.where(is_dead, 1.0, canvas[:, 1, cy, cx]))
        x0 = max(0, cx - R); x1 = min(GRID_SIZE, cx + R + 1)
        y0 = max(0, cy - R); y1 = min(GRID_SIZE, cy + R + 1)
        ms_size = 2 * R + 1
        mx0 = max(0, R - cx); mx1 = ms_size - max(0, cx + R + 1 - GRID_SIZE)
        my0 = max(0, R - cy); my1 = ms_size - max(0, cy + R + 1 - GRID_SIZE)
        ms = jnp.asarray(RANGE_MASK[my0:my1, mx0:mx1])
        reg = canvas[:, 2, y0:y1, x0:x1]
        upd = jnp.where(is_alive[:, None, None], jnp.maximum(reg, ms[None, :, :]), reg)
        canvas = canvas.at[:, 2, y0:y1, x0:x1].set(upd)
    drag = np.clip((np.array([10000.0, 5000.0]) / SCALE).astype(np.int64), 0, GRID_SIZE - 1)
    baron = np.clip((np.array([5000.0, 10000.0]) / SCALE).astype(np.int64), 0, GRID_SIZE - 1)
    has_drag = obj_status[:, 0] > 0.5
    has_baron = obj_status[:, 1] > 0.5
    canvas = canvas.at[:, 3, int(drag[1]), int(drag[0])].set(jnp.where(has_drag, 1.0, canvas[:, 3, int(drag[1]), int(drag[0])]))
    canvas = canvas.at[:, 3, int(baron[1]), int(baron[0])].set(jnp.where(has_baron, 1.0, canvas[:, 3, int(baron[1]), int(baron[0])]))
    kg = _to_grid(k_coords)
    kch = 4 + k_teams.astype(jnp.int32)
    canvas = canvas.at[k_b_idx, kch, kg[:, 1], kg[:, 0]].add(k_vals)
    pg = _to_grid(p_coords)
    pch = 6 + p_channels.astype(jnp.int32)
    canvas = canvas.at[p_b_idx, pch, pg[:, 1], pg[:, 0]].add(p_vals)
    out = lax.conv_general_dilated(canvas, jnp.asarray(KERNEL), (1, 1), [(PAD, PAD), (PAD, PAD)], dimension_numbers=('NCHW', 'OIHW', 'NCHW'), feature_group_count=NUM_CH)
    return out


def setup_inputs(seed: int = 0):
    key = jax.random.key(seed)
    ks = jax.random.split(key, 10)
    B = 512; P = 400000; K = 100000
    return {
        'p_coords': jax.random.uniform(ks[0], (P, 2), jnp.float32, 0.0, 15000.0),
        'p_vals': jax.random.uniform(ks[1], (P,), jnp.float32),
        'p_b_idx': jax.random.randint(ks[2], (P,), 0, B),
        'p_channels': jax.random.randint(ks[3], (P,), 0, 10),
        'dead_towers_mask': jax.random.uniform(ks[4], (B, 30), jnp.float32),
        'k_coords': jax.random.uniform(ks[5], (K, 2), jnp.float32, 0.0, 15000.0),
        'k_vals': jax.random.uniform(ks[6], (K,), jnp.float32),
        'k_teams': jax.random.randint(ks[7], (K,), 0, 2),
        'k_b_idx': jax.random.randint(ks[8], (K,), 0, B),
        'obj_status': jax.random.uniform(ks[9], (B, 2), jnp.float32),
    }


def reference(p_coords, p_vals, p_b_idx, p_channels, dead_towers_mask, k_coords, k_vals, k_teams, k_b_idx, obj_status):
    return _forward(p_coords, p_vals, dead_towers_mask, k_coords, k_vals, obj_status, p_b_idx, p_channels, k_teams, k_b_idx)

if __name__ == "__main__":
    import jax
    _d = setup_inputs()
    print(jax.jit(kernel)(*tuple(_d.values())))

</pallas_src>

<mosaic_0001>
module attributes {stable_mosaic.version = 14 : i64} {
  func.func @_tc_body(%arg0: i32, %arg1: memref<8x12x64x64xf32, #tpu.memory_space<vmem>>, %arg2: memref<8x30xf32, #tpu.memory_space<vmem>>, %arg3: memref<8x2xf32, #tpu.memory_space<vmem>>, %arg4: memref<30x4096xf32, #tpu.memory_space<vmem>>, %arg5: memref<30x64x64xf32, #tpu.memory_space<vmem>>, %arg6: memref<2x4096xf32, #tpu.memory_space<vmem>>, %arg7: memref<64x64xf32, #tpu.memory_space<vmem>>, %arg8: memref<30x30xf32, #tpu.memory_space<vmem>>, %arg9: memref<3x8x4096xf32, #tpu.memory_space<vmem>>, %arg10: memref<8x13x64x64xf32, #tpu.memory_space<vmem>>) attributes {dimension_semantics = [#tpu.dimension_semantics<arbitrary>], iteration_bounds = array<i64: 64>, scalar_prefetch = 0 : i64, scratch_operands = 0 : i64, tpu.core_type = #tpu.core_type<tc>, window_params = [{transform_indices = @transform_0, window_bounds = array<i64: 8, 12, 64, 64>}, {transform_indices = @transform_1, window_bounds = array<i64: 8, 30>}, {transform_indices = @transform_2, window_bounds = array<i64: 8, 2>}, {pipeline_mode = #tpu.pipeline_mode<synchronous>, transform_indices = @transform_3, window_bounds = array<i64: 30, 4096>}, {pipeline_mode = #tpu.pipeline_mode<synchronous>, transform_indices = @transform_4, window_bounds = array<i64: 30, 64, 64>}, {pipeline_mode = #tpu.pipeline_mode<synchronous>, transform_indices = @transform_5, window_bounds = array<i64: 2, 4096>}, {pipeline_mode = #tpu.pipeline_mode<synchronous>, transform_indices = @transform_6, window_bounds = array<i64: 64, 64>}, {pipeline_mode = #tpu.pipeline_mode<synchronous>, transform_indices = @transform_7, window_bounds = array<i64: 30, 30>}, {transform_indices = @transform_8, window_bounds = array<i64: 3, 8, 4096>}, {transform_indices = @transform_9, window_bounds = array<i64: 8, 13, 64, 64>}]} {
    %get3A = arith.constant 0 : index
    %get3A_0 = arith.constant 0 : index
    %get3A_1 = vector.load %arg2[%get3A, %get3A_0] : memref<8x30xf32, #tpu.memory_space<vmem>>, vector<8x30xf32>
    %le3A = arith.constant 5.000000e-01 : f32
    %le3A_2 = vector.broadcast %le3A : f32 to vector<8x30xf32>
    %le3A_3 = arith.cmpf ole, %get3A_1, %le3A_2 : vector<8x30xf32>
    %convert_element_type3A = arith.extui %le3A_3 : vector<8x30xi1> to vector<8x30xi32>
    %convert_element_type3A_4 = arith.sitofp %convert_element_type3A : vector<8x30xi32> to vector<8x30xf32>
    %sub3A = arith.constant 1.000000e+00 : f32
    %sub3A_5 = vector.broadcast %sub3A : f32 to vector<8x30xf32>
    %sub3A_6 = arith.subf %sub3A_5, %convert_element_type3A_4 : vector<8x30xf32>
    %get3A_7 = arith.constant 0 : index
    %get3A_8 = arith.constant 0 : index
    %get3A_9 = vector.load %arg3[%get3A_7, %get3A_8] : memref<8x2xf32, #tpu.memory_space<vmem>>, vector<8x2xf32>
    %gt3A = arith.constant 5.000000e-01 : f32
    %gt3A_10 = vector.broadcast %gt3A : f32 to vector<8x2xf32>
    %gt3A_11 = arith.cmpf ogt, %get3A_9, %gt3A_10 : vector<8x2xf32>
    %convert_element_type3A_12 = arith.extui %gt3A_11 : vector<8x2xi1> to vector<8x2xi32>
    %convert_element_type3A_13 = arith.sitofp %convert_element_type3A_12 : vector<8x2xi32> to vector<8x2xf32>
    %get3A_14 = arith.constant 0 : index
    %get3A_15 = arith.constant 0 : index
    %get3A_16 = vector.load %arg8[%get3A_14, %get3A_15] : memref<30x30xf32, #tpu.memory_space<vmem>>, vector<30x30xf32>
    %dot_general3A = arith.constant dense<0.000000e+00> : vector<8x30xf32>
    %dot_general3A_17 = tpu.matmul %convert_element_type3A_4, %get3A_16, %dot_general3A {dimension_numbers = #tpu.dot_dimension_numbers<[1], [0], [0], [1], [0, 0, 1, 1], [], []>, transpose_lhs_hint = false} : vector<8x30xf32>, vector<30x30xf32>, vector<8x30xf32> -> vector<8x30xf32>
    %min3A = arith.constant 1.000000e+00 : f32
    %min3A_18 = vector.broadcast %min3A : f32 to vector<8x30xf32>
    %min3A_19 = arith.minimumf %dot_general3A_17, %min3A_18 : vector<8x30xf32>
    %dot_general3A_20 = arith.constant dense<0.000000e+00> : vector<8x30xf32>
    %dot_general3A_21 = tpu.matmul %sub3A_6, %get3A_16, %dot_general3A_20 {dimension_numbers = #tpu.dot_dimension_numbers<[1], [0], [0], [1], [0, 0, 1, 1], [], []>, transpose_lhs_hint = false} : vector<8x30xf32>, vector<30x30xf32>, vector<8x30xf32> -> vector<8x30xf32>
    %min3A_22 = arith.constant 1.000000e+00 : f32
    %min3A_23 = vector.broadcast %min3A_22 : f32 to vector<8x30xf32>
    %min3A_24 = arith.minimumf %dot_general3A_21, %min3A_23 : vector<8x30xf32>
    %get3A_25 = arith.constant 0 : index
    %get3A_26 = arith.constant 0 : index
    %get3A_27 = vector.load %arg4[%get3A_25, %get3A_26] : memref<30x4096xf32, #tpu.memory_space<vmem>>, vector<30x4096xf32>
    %dot_general3A_28 = arith.constant dense<0.000000e+00> : vector<8x4096xf32>
    %dot_general3A_29 = tpu.matmul %min3A_19, %get3A_27, %dot_general3A_28 {dimension_numbers = #tpu.dot_dimension_numbers<[1], [0], [0], [1], [0, 0, 1, 1], [], []>, transpose_lhs_hint = false} : vector<8x30xf32>, vector<30x4096xf32>, vector<8x4096xf32> -> vector<8x4096xf32>
    %dot_general3A_30 = arith.constant dense<0.000000e+00> : vector<8x4096xf32>
    %dot_general3A_31 = tpu.matmul %min3A_24, %get3A_27, %dot_general3A_30 {dimension_numbers = #tpu.dot_dimension_numbers<[1], [0], [0], [1], [0, 0, 1, 1], [], []>, transpose_lhs_hint = false} : vector<8x30xf32>, vector<30x4096xf32>, vector<8x4096xf32> -> vector<8x4096xf32>
    %get3A_32 = arith.constant 0 : index
    %get3A_33 = arith.constant 0 : index
    %get3A_34 = vector.load %arg6[%get3A_32, %get3A_33] : memref<2x4096xf32, #tpu.memory_space<vmem>>, vector<2x4096xf32>
    %dot_general3A_35 = arith.constant dense<0.000000e+00> : vector<8x4096xf32>
    %dot_general3A_36 = tpu.matmul %convert_element_type3A_13, %get3A_34, %dot_general3A_35 {dimension_numbers = #tpu.dot_dimension_numbers<[1], [0], [0], [1], [0, 0, 1, 1], [], []>, transpose_lhs_hint = false} : vector<8x2xf32>, vector<2x4096xf32>, vector<8x4096xf32> -> vector<8x4096xf32>
    %swap3A = arith.constant 0 : index
    %swap3A_37 = arith.constant 0 : index
    %swap3A_38 = arith.constant 0 : index
    %swap3A_39 = vector.load %arg9[%swap3A, %swap3A_37, %swap3A_38] : memref<3x8x4096xf32, #tpu.memory_space<vmem>>, vector<1x8x4096xf32>
    %swap3A_40 = vector.shape_cast %swap3A_39 : vector<1x8x4096xf32> to vector<8x4096xf32>
    %swap3A_41 = vector.shape_cast %dot_general3A_29 : vector<8x4096xf32> to vector<1x8x4096xf32>
    tpu.vector_store %arg9[%swap3A, %swap3A_37, %swap3A_38], %swap3A_41 {strides = array<i32>} : memref<3x8x4096xf32, #tpu.memory_space<vmem>>, vector<1x8x4096xf32>,
    %swap3A_42 = arith.constant 1 : index
    %swap3A_43 = arith.constant 0 : index
    %swap3A_44 = arith.constant 0 : index
    %swap3A_45 = vector.load %arg9[%swap3A_42, %swap3A_43, %swap3A_44] : memref<3x8x4096xf32, #tpu.memory_space<vmem>>, vector<1x8x4096xf32>
    %swap3A_46 = vector.shape_cast %swap3A_45 : vector<1x8x4096xf32> to vector<8x4096xf32>
    %swap3A_47 = vector.shape_cast %dot_general3A_31 : vector<8x4096xf32> to vector<1x8x4096xf32>
    tpu.vector_store %arg9[%swap3A_42, %swap3A_43, %swap3A_44], %swap3A_47 {strides = array<i32>} : memref<3x8x4096xf32, #tpu.memory_space<vmem>>, vector<1x8x4096xf32>,
    %swap3A_48 = arith.constant 2 : index
    %swap3A_49 = arith.constant 0 : index
    %swap3A_50 = arith.constant 0 : index
    %swap3A_51 = vector.load %arg9[%swap3A_48, %swap3A_49, %swap3A_50] : memref<3x8x4096xf32, #tpu.memory_space<vmem>>, vector<1x8x4096xf32>
    %swap3A_52 = vector.shape_cast %swap3A_51 : vector<1x8x4096xf32> to vector<8x4096xf32>
    %swap3A_53 = vector.shape_cast %dot_general3A_36 : vector<8x4096xf32> to vector<1x8x4096xf32>
    tpu.vector_store %arg9[%swap3A_48, %swap3A_49, %swap3A_50], %swap3A_53 {strides = array<i32>} : memref<3x8x4096xf32, #tpu.memory_space<vmem>>, vector<1x8x4096xf32>,
    %get3A_54 = arith.constant 0 : index
    %get3A_55 = arith.constant 0 : index
    %get3A_56 = vector.load %arg7[%get3A_54, %get3A_55] : memref<64x64xf32, #tpu.memory_space<vmem>>, vector<64x64xf32>
    %broadcast_in_dim3A = arith.constant 0.000000e+00 : f32
    %broadcast_in_dim3A_57 = vector.broadcast %broadcast_in_dim3A : f32 to vector<8x64x64xf32>
    %slice3A = vector.extract_strided_slice %convert_element_type3A_4 {offsets = [0, 0], sizes = [8, 1], strides = [1, 1]} : vector<8x30xf32> to vector<8x1xf32>
    %squeeze3A = vector.shape_cast %slice3A : vector<8x1xf32> to vector<8xf32>
    %reshape3A = vector.shape_cast %squeeze3A : vector<8xf32> to vector<8x1x1xf32>
    %get3A_58 = arith.constant 0 : index
    %get3A_59 = arith.constant 0 : index
    %get3A_60 = arith.constant 0 : index
    %get3A_61 = vector.load %arg5[%get3A_58, %get3A_59, %get3A_60] : memref<30x64x64xf32, #tpu.memory_space<vmem>>, vector<1x64x64xf32>
    %get3A_62 = vector.shape_cast %get3A_61 : vector<1x64x64xf32> to vector<64x64xf32>
    %broadcast_in_dim3A_63 = vector.shape_cast %get3A_62 : vector<64x64xf32> to vector<1x64x64xf32>
    %mul3A = vector.broadcast %reshape3A : vector<8x1x1xf32> to vector<8x64x64xf32>
    %mul3A_64 = vector.broadcast %broadcast_in_dim3A_63 : vector<1x64x64xf32> to vector<8x64x64xf32>
    %mul3A_65 = arith.mulf %mul3A, %mul3A_64 : vector<8x64x64xf32>
    %max3A = arith.maximumf %broadcast_in_dim3A_57, %mul3A_65 : vector<8x64x64xf32>
    %slice3A_66 = vector.extract_strided_slice %convert_element_type3A_4 {offsets = [0, 1], sizes = [8, 1], strides = [1, 1]} : vector<8x30xf32> to vector<8x1xf32>
    %squeeze3A_67 = vector.shape_cast %slice3A_66 : vector<8x1xf32> to vector<8xf32>
    %reshape3A_68 = vector.shape_cast %squeeze3A_67 : vector<8xf32> to vector<8x1x1xf32>
    %get3A_69 = arith.constant 1 : index
    %get3A_70 = arith.constant 0 : index
    %get3A_71 = arith.constant 0 : index
    %get3A_72 = vector.load %arg5[%get3A_69, %get3A_70, %get3A_71] : memref<30x64x64xf32, #tpu.memory_space<vmem>>, vector<1x64x64xf32>
    %get3A_73 = vector.shape_cast %get3A_72 : vector<1x64x64xf32> to vector<64x64xf32>
    %broadcast_in_dim3A_74 = vector.shape_cast %get3A_73 : vector<64x64xf32> to vector<1x64x64xf32>
    %mul3A_75 = vector.broadcast %reshape3A_68 : vector<8x1x1xf32> to vector<8x64x64xf32>
    %mul3A_76 = vector.broadcast %broadcast_in_dim3A_74 : vector<1x64x64xf32> to vector<8x64x64xf32>
    %mul3A_77 = arith.mulf %mul3A_75, %mul3A_76 : vector<8x64x64xf32>
    %max3A_78 = arith.maximumf %max3A, %mul3A_77 : vector<8x64x64xf32>
    %slice3A_79 = vector.extract_strided_slice %convert_element_type3A_4 {offsets = [0, 2], sizes = [8, 1], strides = [1, 1]} : vector<8x30xf32> to vector<8x1xf32>
    %squeeze3A_80 = vector.shape_cast %slice3A_79 : vector<8x1xf32> to vector<8xf32>
    %reshape3A_81 = vector.shape_cast %squeeze3A_80 : vector<8xf32> to vector<8x1x1xf32>
    %get3A_82 = arith.constant 2 : index
    %get3A_83 = arith.constant 0 : index
    %get3A_84 = arith.constant 0 : index
    %get3A_85 = vector.load %arg5[%get3A_82, %get3A_83, %get3A_84] : memref<30x64x64xf32, #tpu.memory_space<vmem>>, vector<1x64x64xf32>
    %get3A_86 = vector.shape_cast %get3A_85 : vector<1x64x64xf32> to vector<64x64xf32>
    %broadcast_in_dim3A_87 = vector.shape_cast %get3A_86 : vector<64x64xf32> to vector<1x64x64xf32>
    %mul3A_88 = vector.broadcast %reshape3A_81 : vector<8x1x1xf32> to vector<8x64x64xf32>
    %mul3A_89 = vector.broadcast %broadcast_in_dim3A_87 : vector<1x64x64xf32> to vector<8x64x64xf32>
    %mul3A_90 = arith.mulf %mul3A_88, %mul3A_89 : vector<8x64x64xf32>
    %max3A_91 = arith.maximumf %max3A_78, %mul3A_90 : vector<8x64x64xf32>
    %slice3A_92 = vector.extract_strided_slice %convert_element_type3A_4 {offsets = [0, 3], sizes = [8, 1], strides = [1, 1]} : vector<8x30xf32> to vector<8x1xf32>
    %squeeze3A_93 = vector.shape_cast %slice3A_92 : vector<8x1xf32> to vector<8xf32>
    %reshape3A_94 = vector.shape_cast %squeeze3A_93 : vector<8xf32> to vector<8x1x1xf32>
    %get3A_95 = arith.constant 3 : index
    %get3A_96 = arith.constant 0 : index
    %get3A_97 = arith.constant 0 : index
    %get3A_98 = vector.load %arg5[%get3A_95, %get3A_96, %get3A_97] : memref<30x64x64xf32, #tpu.memory_space<vmem>>, vector<1x64x64xf32>
    %get3A_99 = vector.shape_cast %get3A_98 : vector<1x64x64xf32> to vector<64x64xf32>
    %broadcast_in_dim3A_100 = vector.shape_cast %get3A_99 : vector<64x64xf32> to vector<1x64x64xf32>
    %mul3A_101 = vector.broadcast %reshape3A_94 : vector<8x1x1xf32> to vector<8x64x64xf32>
    %mul3A_102 = vector.broadcast %broadcast_in_dim3A_100 : vector<1x64x64xf32> to vector<8x64x64xf32>
    %mul3A_103 = arith.mulf %mul3A_101, %mul3A_102 : vector<8x64x64xf32>
    %max3A_104 = arith.maximumf %max3A_91, %mul3A_103 : vector<8x64x64xf32>
    %slice3A_105 = vector.extract_strided_slice %convert_element_type3A_4 {offsets = [0, 4], sizes = [8, 1], strides = [1, 1]} : vector<8x30xf32> to vector<8x1xf32>
    %squeeze3A_106 = vector.shape_cast %slice3A_105 : vector<8x1xf32> to vector<8xf32>
    %reshape3A_107 = vector.shape_cast %squeeze3A_106 : vector<8xf32> to vector<8x1x1xf32>
    %get3A_108 = arith.constant 4 : index
    %get3A_109 = arith.constant 0 : index
    %get3A_110 = arith.constant 0 : index
    %get3A_111 = vector.load %arg5[%get3A_108, %get3A_109, %get3A_110] : memref<30x64x64xf32, #tpu.memory_space<vmem>>, vector<1x64x64xf32>
    %get3A_112 = vector.shape_cast %get3A_111 : vector<1x64x64xf32> to vector<64x64xf32>
    %broadcast_in_dim3A_113 = vector.shape_cast %get3A_112 : vector<64x64xf32> to vector<1x64x64xf32>
    %mul3A_114 = vector.broadcast %reshape3A_107 : vector<8x1x1xf32> to vector<8x64x64xf32>
    %mul3A_115 = vector.broadcast %broadcast_in_dim3A_113 : vector<1x64x64xf32> to vector<8x64x64xf32>
    %mul3A_116 = arith.mulf %mul3A_114, %mul3A_115 : vector<8x64x64xf32>
    %max3A_117 = arith.maximumf %max3A_104, %mul3A_116 : vector<8x64x64xf32>
    %slice3A_118 = vector.extract_strided_slice %convert_element_type3A_4 {offsets = [0, 5], sizes = [8, 1], strides = [1, 1]} : vector<8x30xf32> to vector<8x1xf32>
    %squeeze3A_119 = vector.shape_cast %slice3A_118 : vector<8x1xf32> to vector<8xf32>
    %reshape3A_120 = vector.shape_cast %squeeze3A_119 : vector<8xf32> to vector<8x1x1xf32>
    %get3A_121 = arith.constant 5 : index
    %get3A_122 = arith.constant 0 : index
    %get3A_123 = arith.constant 0 : index
    %get3A_124 = vector.load %arg5[%get3A_121, %get3A_122, %get3A_123] : memref<30x64x64xf32, #tpu.memory_space<vmem>>, vector<1x64x64xf32>
    %get3A_125 = vector.shape_cast %get3A_124 : vector<1x64x64xf32> to vector<64x64xf32>
    %broadcast_in_dim3A_126 = vector.shape_cast %get3A_125 : vector<64x64xf32> to vector<1x64x64xf32>
    %mul3A_127 = vector.broadcast %reshape3A_120 : vector<8x1x1xf32> to vector<8x64x64xf32>
    %mul3A_128 = vector.broadcast %broadcast_in_dim3A_126 : vector<1x64x64xf32> to vector<8x64x64xf32>
    %mul3A_129 = arith.mulf %mul3A_127, %mul3A_128 : vector<8x64x64xf32>
    %max3A_130 = arith.maximumf %max3A_117, %mul3A_129 : vector<8x64x64xf32>
    %slice3A_131 = vector.extract_strided_slice %convert_element_type3A_4 {offsets = [0, 6], sizes = [8, 1], strides = [1, 1]} : vector<8x30xf32> to vector<8x1xf32>
    %squeeze3A_132 = vector.shape_cast %slice3A_131 : vector<8x1xf32> to vector<8xf32>
    %reshape3A_133 = vector.shape_cast %squeeze3A_132 : vector<8xf32> to vector<8x1x1xf32>
    %get3A_134 = arith.constant 6 : index
    %get3A_135 = arith.constant 0 : index
    %get3A_136 = arith.constant 0 : index
    %get3A_137 = vector.load %arg5[%get3A_134, %get3A_135, %get3A_136] : memref<30x64x64xf32, #tpu.memory_space<vmem>>, vector<1x64x64xf32>
    %get3A_138 = vector.shape_cast %get3A_137 : vector<1x64x64xf32> to vector<64x64xf32>
    %broadcast_in_dim3A_139 = vector.shape_cast %get3A_138 : vector<64x64xf32> to vector<1x64x64xf32>
    %mul3A_140 = vector.broadcast %reshape3A_133 : vector<8x1x1xf32> to vector<8x64x64xf32>
    %mul3A_141 = vector.broadcast %broadcast_in_dim3A_139 : vector<1x64x64xf32> to vector<8x64x64xf32>
    %mul3A_142 = arith.mulf %mul3A_140, %mul3A_141 : vector<8x64x64xf32>
    %max3A_143 = arith.maximumf %max3A_130, %mul3A_142 : vector<8x64x64xf32>
    %slice3A_144 = vector.extract_strided_slice %convert_element_type3A_4 {offsets = [0, 7], sizes = [8, 1], strides = [1, 1]} : vector<8x30xf32> to vector<8x1xf32>
    %squeeze3A_145 = vector.shape_cast %slice3A_144 : vector<8x1xf32> to vector<8xf32>
    %reshape3A_146 = vector.shape_cast %squeeze3A_145 : vector<8xf32> to vector<8x1x1xf32>
    %get3A_147 = arith.constant 7 : index
    %get3A_148 = arith.constant 0 : index
    %get3A_149 = arith.constant 0 : index
    %get3A_150 = vector.load %arg5[%get3A_147, %get3A_148, %get3A_149] : memref<30x64x64xf32, #tpu.memory_space<vmem>>, vector<1x64x64xf32>
    %get3A_151 = vector.shape_cast %get3A_150 : vector<1x64x64xf32> to vector<64x64xf32>
    %broadcast_in_dim3A_152 = vector.shape_cast %get3A_151 : vector<64x64xf32> to vector<1x64x64xf32>
    %mul3A_153 = vector.broadcast %reshape3A_146 : vector<8x1x1xf32> to vector<8x64x64xf32>
    %mul3A_154 = vector.broadcast %broadcast_in_dim3A_152 : vector<1x64x64xf32> to vector<8x64x64xf32>
    %mul3A_155 = arith.mulf %mul3A_153, %mul3A_154 : vector<8x64x64xf32>
    %max3A_156 = arith.maximumf %max3A_143, %mul3A_155 : vector<8x64x64xf32>
    %slice3A_157 = vector.extract_strided_slice %convert_element_type3A_4 {offsets = [0, 8], sizes = [8, 1], strides = [1, 1]} : vector<8x30xf32> to vector<8x1xf32>
    %squeeze3A_158 = vector.shape_cast %slice3A_157 : vector<8x1xf32> to vector<8xf32>
    %reshape3A_159 = vector.shape_cast %squeeze3A_158 : vector<8xf32> to vector<8x1x1xf32>
    %get3A_160 = arith.constant 8 : index
    %get3A_161 = arith.constant 0 : index
    %get3A_162 = arith.constant 0 : index
    %get3A_163 = vector.load %arg5[%get3A_160, %get3A_161, %get3A_162] : memref<30x64x64xf32, #tpu.memory_space<vmem>>, vector<1x64x64xf32>
    %get3A_164 = vector.shape_cast %get3A_163 : vector<1x64x64xf32> to vector<64x64xf32>
    %broadcast_in_dim3A_165 = vector.shape_cast %get3A_164 : vector<64x64xf32> to vector<1x64x64xf32>
    %mul3A_166 = vector.broadcast %reshape3A_159 : vector<8x1x1xf32> to vector<8x64x64xf32>
    %mul3A_167 = vector.broadcast %broadcast_in_dim3A_165 : vector<1x64x64xf32> to vector<8x64x64xf32>
    %mul3A_168 = arith.mulf %mul3A_166, %mul3A_167 : vector<8x64x64xf32>
    %max3A_169 = arith.maximumf %max3A_156, %mul3A_168 : vector<8x64x64xf32>
    %slice3A_170 = vector.extract_strided_slice %convert_element_type3A_4 {offsets = [0, 9], sizes = [8, 1], strides = [1, 1]} : vector<8x30xf32> to vector<8x1xf32>
    %squeeze3A_171 = vector.shape_cast %slice3A_170 : vector<8x1xf32> to vector<8xf32>
    %reshape3A_172 = vector.shape_cast %squeeze3A_171 : vector<8xf32> to vector<8x1x1xf32>
    %get3A_173 = arith.constant 9 : index
    %get3A_174 = arith.constant 0 : index
    %get3A_175 = arith.constant 0 : index
    %get3A_176 = vector.load %arg5[%get3A_173, %get3A_174, %get3A_175] : memref<30x64x64xf32, #tpu.memory_space<vmem>>, vector<1x64x64xf32>
    %get3A_177 = vector.shape_cast %get3A_176 : vector<1x64x64xf32> to vector<64x64xf32>
    %broadcast_in_dim3A_178 = vector.shape_cast %get3A_177 : vector<64x64xf32> to vector<1x64x64xf32>
    %mul3A_179 = vector.broadcast %reshape3A_172 : vector<8x1x1xf32> to vector<8x64x64xf32>
    %mul3A_180 = vector.broadcast %broadcast_in_dim3A_178 : vector<1x64x64xf32> to vector<8x64x64xf32>
    %mul3A_181 = arith.mulf %mul3A_179, %mul3A_180 : vector<8x64x64xf32>
    %max3A_182 = arith.maximumf %max3A_169, %mul3A_181 : vector<8x64x64xf32>
    %slice3A_183 = vector.extract_strided_slice %convert_element_type3A_4 {offsets = [0, 10], sizes = [8, 1], strides = [1, 1]} : vector<8x30xf32> to vector<8x1xf32>
    %squeeze3A_184 = vector.shape_cast %slice3A_183 : vector<8x1xf32> to vector<8xf32>
    %reshape3A_185 = vector.shape_cast %squeeze3A_184 : vector<8xf32> to vector<8x1x1xf32>
    %get3A_186 = arith.constant 10 : index
    %get3A_187 = arith.constant 0 : index
    %get3A_188 = arith.constant 0 : index
    %get3A_189 = vector.load %arg5[%get3A_186, %get3A_187, %get3A_188] : memref<30x64x64xf32, #tpu.memory_space<vmem>>, vector<1x64x64xf32>
    %get3A_190 = vector.shape_cast %get3A_189 : vector<1x64x64xf32> to vector<64x64xf32>
    %broadcast_in_dim3A_191 = vector.shape_cast %get3A_190 : vector<64x64xf32> to vector<1x64x64xf32>
    %mul3A_192 = vector.broadcast %reshape3A_185 : vector<8x1x1xf32> to vector<8x64x64xf32>
    %mul3A_193 = vector.broadcast %broadcast_in_dim3A_191 : vector<1x64x64xf32> to vector<8x64x64xf32>
    %mul3A_194 = arith.mulf %mul3A_192, %mul3A_193 : vector<8x64x64xf32>
    %max3A_195 = arith.maximumf %max3A_182, %mul3A_194 : vector<8x64x64xf32>
    %slice3A_196 = vector.extract_strided_slice %convert_element_type3A_4 {offsets = [0, 11], sizes = [8, 1], strides = [1, 1]} : vector<8x30xf32> to vector<8x1xf32>
    %squeeze3A_197 = vector.shape_cast %slice3A_196 : vector<8x1xf32> to vector<8xf32>
    %reshape3A_198 = vector.shape_cast %squeeze3A_197 : vector<8xf32> to vector<8x1x1xf32>
    %get3A_199 = arith.constant 11 : index
    %get3A_200 = arith.constant 0 : index
    %get3A_201 = arith.constant 0 : index
    %get3A_202 = vector.load %arg5[%get3A_199, %get3A_200, %get3A_201] : memref<30x64x64xf32, #tpu.memory_space<vmem>>, vector<1x64x64xf32>
    %get3A_203 = vector.shape_cast %get3A_202 : vector<1x64x64xf32> to vector<64x64xf32>
    %broadcast_in_dim3A_204 = vector.shape_cast %get3A_203 : vector<64x64xf32> to vector<1x64x64xf32>
    %mul3A_205 = vector.broadcast %reshape3A_198 : vector<8x1x1xf32> to vector<8x64x64xf32>
    %mul3A_206 = vector.broadcast %broadcast_in_dim3A_204 : vector<1x64x64xf32> to vector<8x64x64xf32>
    %mul3A_207 = arith.mulf %mul3A_205, %mul3A_206 : vector<8x64x64xf32>
    %max3A_208 = arith.maximumf %max3A_195, %mul3A_207 : vector<8x64x64xf32>
    %slice3A_209 = vector.extract_strided_slice %convert_element_type3A_4 {offsets = [0, 12], sizes = [8, 1], strides = [1, 1]} : vector<8x30xf32> to vector<8x1xf32>
    %squeeze3A_210 = vector.shape_cast %slice3A_209 : vector<8x1xf32> to vector<8xf32>
    %reshape3A_211 = vector.shape_cast %squeeze3A_210 : vector<8xf32> to vector<8x1x1xf32>
    %get3A_212 = arith.constant 12 : index
    %get3A_213 = arith.constant 0 : index
    %get3A_214 = arith.constant 0 : index
    %get3A_215 = vector.load %arg5[%get3A_212, %get3A_213, %get3A_214] : memref<30x64x64xf32, #tpu.memory_space<vmem>>, vector<1x64x64xf32>
    %get3A_216 = vector.shape_cast %get3A_215 : vector<1x64x64xf32> to vector<64x64xf32>
    %broadcast_in_dim3A_217 = vector.shape_cast %get3A_216 : vector<64x64xf32> to vector<1x64x64xf32>
    %mul3A_218 = vector.broadcast %reshape3A_211 : vector<8x1x1xf32> to vector<8x64x64xf32>
    %mul3A_219 = vector.broadcast %broadcast_in_dim3A_217 : vector<1x64x64xf32> to vector<8x64x64xf32>
    %mul3A_220 = arith.mulf %mul3A_218, %mul3A_219 : vector<8x64x64xf32>
    %max3A_221 = arith.maximumf %max3A_208, %mul3A_220 : vector<8x64x64xf32>
    %slice3A_222 = vector.extract_strided_slice %convert_element_type3A_4 {offsets = [0, 13], sizes = [8, 1], strides = [1, 1]} : vector<8x30xf32> to vector<8x1xf32>
    %squeeze3A_223 = vector.shape_cast %slice3A_222 : vector<8x1xf32> to vector<8xf32>
    %reshape3A_224 = vector.shape_cast %squeeze3A_223 : vector<8xf32> to vector<8x1x1xf32>
    %get3A_225 = arith.constant 13 : index
    %get3A_226 = arith.constant 0 : index
    %get3A_227 = arith.constant 0 : index
    %get3A_228 = vector.load %arg5[%get3A_225, %get3A_226, %get3A_227] : memref<30x64x64xf32, #tpu.memory_space<vmem>>, vector<1x64x64xf32>
    %get3A_229 = vector.shape_cast %get3A_228 : vector<1x64x64xf32> to vector<64x64xf32>
    %broadcast_in_dim3A_230 = vector.shape_cast %get3A_229 : vector<64x64xf32> to vector<1x64x64xf32>
    %mul3A_231 = vector.broadcast %reshape3A_224 : vector<8x1x1xf32> to vector<8x64x64xf32>
    %mul3A_232 = vector.broadcast %broadcast_in_dim3A_230 : vector<1x64x64xf32> to vector<8x64x64xf32>
    %mul3A_233 = arith.mulf %mul3A_231, %mul3A_232 : vector<8x64x64xf32>
    %max3A_234 = arith.maximumf %max3A_221, %mul3A_233 : vector<8x64x64xf32>
    %slice3A_235 = vector.extract_strided_slice %convert_element_type3A_4 {offsets = [0, 14], sizes = [8, 1], strides = [1, 1]} : vector<8x30xf32> to vector<8x1xf32>
    %squeeze3A_236 = vector.shape_cast %slice3A_235 : vector<8x1xf32> to vector<8xf32>
    %reshape3A_237 = vector.shape_cast %squeeze3A_236 : vector<8xf32> to vector<8x1x1xf32>
    %get3A_238 = arith.constant 14 : index
    %get3A_239 = arith.constant 0 : index
    %get3A_240 = arith.constant 0 : index
    %get3A_241 = vector.load %arg5[%get3A_238, %get3A_239, %get3A_240] : memref<30x64x64xf32, #tpu.memory_space<vmem>>, vector<1x64x64xf32>
    %get3A_242 = vector.shape_cast %get3A_241 : vector<1x64x64xf32> to vector<64x64xf32>
    %broadcast_in_dim3A_243 = vector.shape_cast %get3A_242 : vector<64x64xf32> to vector<1x64x64xf32>
    %mul3A_244 = vector.broadcast %reshape3A_237 : vector<8x1x1xf32> to vector<8x64x64xf32>
    %mul3A_245 = vector.broadcast %broadcast_in_dim3A_243 : vector<1x64x64xf32> to vector<8x64x64xf32>
    %mul3A_246 = arith.mulf %mul3A_244, %mul3A_245 : vector<8x64x64xf32>
    %max3A_247 = arith.maximumf %max3A_234, %mul3A_246 : vector<8x64x64xf32>
    %slice3A_248 = vector.extract_strided_slice %convert_element_type3A_4 {offsets = [0, 15], sizes = [8, 1], strides = [1, 1]} : vector<8x30xf32> to vector<8x1xf32>
    %squeeze3A_249 = vector.shape_cast %slice3A_248 : vector<8x1xf32> to vector<8xf32>
    %reshape3A_250 = vector.shape_cast %squeeze3A_249 : vector<8xf32> to vector<8x1x1xf32>
    %get3A_251 = arith.constant 15 : index
    %get3A_252 = arith.constant 0 : index
    %get3A_253 = arith.constant 0 : index
    %get3A_254 = vector.load %arg5[%get3A_251, %get3A_252, %get3A_253] : memref<30x64x64xf32, #tpu.memory_space<vmem>>, vector<1x64x64xf32>
    %get3A_255 = vector.shape_cast %get3A_254 : vector<1x64x64xf32> to vector<64x64xf32>
    %broadcast_in_dim3A_256 = vector.shape_cast %get3A_255 : vector<64x64xf32> to vector<1x64x64xf32>
    %mul3A_257 = vector.broadcast %reshape3A_250 : vector<8x1x1xf32> to vector<8x64x64xf32>
    %mul3A_258 = vector.broadcast %broadcast_in_dim3A_256 : vector<1x64x64xf32> to vector<8x64x64xf32>
    %mul3A_259 = arith.mulf %mul3A_257, %mul3A_258 : vector<8x64x64xf32>
    %max3A_260 = arith.maximumf %max3A_247, %mul3A_259 : vector<8x64x64xf32>
    %slice3A_261 = vector.extract_strided_slice %convert_element_type3A_4 {offsets = [0, 16], sizes = [8, 1], strides = [1, 1]} : vector<8x30xf32> to vector<8x1xf32>
    %squeeze3A_262 = vector.shape_cast %slice3A_261 : vector<8x1xf32> to vector<8xf32>
    %reshape3A_263 = vector.shape_cast %squeeze3A_262 : vector<8xf32> to vector<8x1x1xf32>
    %get3A_264 = arith.constant 16 : index
    %get3A_265 = arith.constant 0 : index
    %get3A_266 = arith.constant 0 : index
    %get3A_267 = vector.load %arg5[%get3A_264, %get3A_265, %get3A_266] : memref<30x64x64xf32, #tpu.memory_space<vmem>>, vector<1x64x64xf32>
    %get3A_268 = vector.shape_cast %get3A_267 : vector<1x64x64xf32> to vector<64x64xf32>
    %broadcast_in_dim3A_269 = vector.shape_cast %get3A_268 : vector<64x64xf32> to vector<1x64x64xf32>
    %mul3A_270 = vector.broadcast %reshape3A_263 : vector<8x1x1xf32> to vector<8x64x64xf32>
    %mul3A_271 = vector.broadcast %broadcast_in_dim3A_269 : vector<1x64x64xf32> to vector<8x64x64xf32>
    %mul3A_272 = arith.mulf %mul3A_270, %mul3A_271 : vector<8x64x64xf32>
    %max3A_273 = arith.maximumf %max3A_260, %mul3A_272 : vector<8x64x64xf32>
    %slice3A_274 = vector.extract_strided_slice %convert_element_type3A_4 {offsets = [0, 17], sizes = [8, 1], strides = [1, 1]} : vector<8x30xf32> to vector<8x1xf32>
    %squeeze3A_275 = vector.shape_cast %slice3A_274 : vector<8x1xf32> to vector<8xf32>
    %reshape3A_276 = vector.shape_cast %squeeze3A_275 : vector<8xf32> to vector<8x1x1xf32>
    %get3A_277 = arith.constant 17 : index
    %get3A_278 = arith.constant 0 : index
    %get3A_279 = arith.constant 0 : index
    %get3A_280 = vector.load %arg5[%get3A_277, %get3A_278, %get3A_279] : memref<30x64x64xf32, #tpu.memory_space<vmem>>, vector<1x64x64xf32>
    %get3A_281 = vector.shape_cast %get3A_280 : vector<1x64x64xf32> to vector<64x64xf32>
    %broadcast_in_dim3A_282 = vector.shape_cast %get3A_281 : vector<64x64xf32> to vector<1x64x64xf32>
    %mul3A_283 = vector.broadcast %reshape3A_276 : vector<8x1x1xf32> to vector<8x64x64xf32>
    %mul3A_284 = vector.broadcast %broadcast_in_dim3A_282 : vector<1x64x64xf32> to vector<8x64x64xf32>
    %mul3A_285 = arith.mulf %mul3A_283, %mul3A_284 : vector<8x64x64xf32>
    %max3A_286 = arith.maximumf %max3A_273, %mul3A_285 : vector<8x64x64xf32>
    %slice3A_287 = vector.extract_strided_slice %convert_element_type3A_4 {offsets = [0, 18], sizes = [8, 1], strides = [1, 1]} : vector<8x30xf32> to vector<8x1xf32>
    %squeeze3A_288 = vector.shape_cast %slice3A_287 : vector<8x1xf32> to vector<8xf32>
    %reshape3A_289 = vector.shape_cast %squeeze3A_288 : vector<8xf32> to vector<8x1x1xf32>
    %get3A_290 = arith.constant 18 : index
    %get3A_291 = arith.constant 0 : index
    %get3A_292 = arith.constant 0 : index
    %get3A_293 = vector.load %arg5[%get3A_290, %get3A_291, %get3A_292] : memref<30x64x64xf32, #tpu.memory_space<vmem>>, vector<1x64x64xf32>
    %get3A_294 = vector.shape_cast %get3A_293 : vector<1x64x64xf32> to vector<64x64xf32>
    %broadcast_in_dim3A_295 = vector.shape_cast %get3A_294 : vector<64x64xf32> to vector<1x64x64xf32>
    %mul3A_296 = vector.broadcast %reshape3A_289 : vector<8x1x1xf32> to vector<8x64x64xf32>
    %mul3A_297 = vector.broadcast %broadcast_in_dim3A_295 : vector<1x64x64xf32> to vector<8x64x64xf32>
    %mul3A_298 = arith.mulf %mul3A_296, %mul3A_297 : vector<8x64x64xf32>
    %max3A_299 = arith.maximumf %max3A_286, %mul3A_298 : vector<8x64x64xf32>
    %slice3A_300 = vector.extract_strided_slice %convert_element_type3A_4 {offsets = [0, 19], sizes = [8, 1], strides = [1, 1]} : vector<8x30xf32> to vector<8x1xf32>
    %squeeze3A_301 = vector.shape_cast %slice3A_300 : vector<8x1xf32> to vector<8xf32>
    %reshape3A_302 = vector.shape_cast %squeeze3A_301 : vector<8xf32> to vector<8x1x1xf32>
    %get3A_303 = arith.constant 19 : index
    %get3A_304 = arith.constant 0 : index
    %get3A_305 = arith.constant 0 : index
    %get3A_306 = vector.load %arg5[%get3A_303, %get3A_304, %get3A_305] : memref<30x64x64xf32, #tpu.memory_space<vmem>>, vector<1x64x64xf32>
    %get3A_307 = vector.shape_cast %get3A_306 : vector<1x64x64xf32> to vector<64x64xf32>
    %broadcast_in_dim3A_308 = vector.shape_cast %get3A_307 : vector<64x64xf32> to vector<1x64x64xf32>
    %mul3A_309 = vector.broadcast %reshape3A_302 : vector<8x1x1xf32> to vector<8x64x64xf32>
    %mul3A_310 = vector.broadcast %broadcast_in_dim3A_308 : vector<1x64x64xf32> to vector<8x64x64xf32>
    %mul3A_311 = arith.mulf %mul3A_309, %mul3A_310 : vector<8x64x64xf32>
    %max3A_312 = arith.maximumf %max3A_299, %mul3A_311 : vector<8x64x64xf32>
    %slice3A_313 = vector.extract_strided_slice %convert_element_type3A_4 {offsets = [0, 20], sizes = [8, 1], strides = [1, 1]} : vector<8x30xf32> to vector<8x1xf32>
    %squeeze3A_314 = vector.shape_cast %slice3A_313 : vector<8x1xf32> to vector<8xf32>
    %reshape3A_315 = vector.shape_cast %squeeze3A_314 : vector<8xf32> to vector<8x1x1xf32>
    %get3A_316 = arith.constant 20 : index
    %get3A_317 = arith.constant 0 : index
    %get3A_318 = arith.constant 0 : index
    %get3A_319 = vector.load %arg5[%get3A_316, %get3A_317, %get3A_318] : memref<30x64x64xf32, #tpu.memory_space<vmem>>, vector<1x64x64xf32>
    %get3A_320 = vector.shape_cast %get3A_319 : vector<1x64x64xf32> to vector<64x64xf32>
    %broadcast_in_dim3A_321 = vector.shape_cast %get3A_320 : vector<64x64xf32> to vector<1x64x64xf32>
    %mul3A_322 = vector.broadcast %reshape3A_315 : vector<8x1x1xf32> to vector<8x64x64xf32>
    %mul3A_323 = vector.broadcast %broadcast_in_dim3A_321 : vector<1x64x64xf32> to vector<8x64x64xf32>
    %mul3A_324 = arith.mulf %mul3A_322, %mul3A_323 : vector<8x64x64xf32>
    %max3A_325 = arith.maximumf %max3A_312, %mul3A_324 : vector<8x64x64xf32>
    %slice3A_326 = vector.extract_strided_slice %convert_element_type3A_4 {offsets = [0, 21], sizes = [8, 1], strides = [1, 1]} : vector<8x30xf32> to vector<8x1xf32>
    %squeeze3A_327 = vector.shape_cast %slice3A_326 : vector<8x1xf32> to vector<8xf32>
    %reshape3A_328 = vector.shape_cast %squeeze3A_327 : vector<8xf32> to vector<8x1x1xf32>
    %get3A_329 = arith.constant 21 : index
    %get3A_330 = arith.constant 0 : index
    %get3A_331 = arith.constant 0 : index
    %get3A_332 = vector.load %arg5[%get3A_329, %get3A_330, %get3A_331] : memref<30x64x64xf32, #tpu.memory_space<vmem>>, vector<1x64x64xf32>
    %get3A_333 = vector.shape_cast %get3A_332 : vector<1x64x64xf32> to vector<64x64xf32>
    %broadcast_in_dim3A_334 = vector.shape_cast %get3A_333 : vector<64x64xf32> to vector<1x64x64xf32>
    %mul3A_335 = vector.broadcast %reshape3A_328 : vector<8x1x1xf32> to vector<8x64x64xf32>
    %mul3A_336 = vector.broadcast %broadcast_in_dim3A_334 : vector<1x64x64xf32> to vector<8x64x64xf32>
    %mul3A_337 = arith.mulf %mul3A_335, %mul3A_336 : vector<8x64x64xf32>
    %max3A_338 = arith.maximumf %max3A_325, %mul3A_337 : vector<8x64x64xf32>
    %slice3A_339 = vector.extract_strided_slice %convert_element_type3A_4 {offsets = [0, 22], sizes = [8, 1], strides = [1, 1]} : vector<8x30xf32> to vector<8x1xf32>
    %squeeze3A_340 = vector.shape_cast %slice3A_339 : vector<8x1xf32> to vector<8xf32>
    %reshape3A_341 = vector.shape_cast %squeeze3A_340 : vector<8xf32> to vector<8x1x1xf32>
    %get3A_342 = arith.constant 22 : index
    %get3A_343 = arith.constant 0 : index
    %get3A_344 = arith.constant 0 : index
    %get3A_345 = vector.load %arg5[%get3A_342, %get3A_343, %get3A_344] : memref<30x64x64xf32, #tpu.memory_space<vmem>>, vector<1x64x64xf32>
    %get3A_346 = vector.shape_cast %get3A_345 : vector<1x64x64xf32> to vector<64x64xf32>
    %broadcast_in_dim3A_347 = vector.shape_cast %get3A_346 : vector<64x64xf32> to vector<1x64x64xf32>
    %mul3A_348 = vector.broadcast %reshape3A_341 : vector<8x1x1xf32> to vector<8x64x64xf32>
    %mul3A_349 = vector.broadcast %broadcast_in_dim3A_347 : vector<1x64x64xf32> to vector<8x64x64xf32>
    %mul3A_350 = arith.mulf %mul3A_348, %mul3A_349 : vector<8x64x64xf32>
    %max3A_351 = arith.maximumf %max3A_338, %mul3A_350 : vector<8x64x64xf32>
    %slice3A_352 = vector.extract_strided_slice %convert_element_type3A_4 {offsets = [0, 23], sizes = [8, 1], strides = [1, 1]} : vector<8x30xf32> to vector<8x1xf32>
    %squeeze3A_353 = vector.shape_cast %slice3A_352 : vector<8x1xf32> to vector<8xf32>
    %reshape3A_354 = vector.shape_cast %squeeze3A_353 : vector<8xf32> to vector<8x1x1xf32>
    %get3A_355 = arith.constant 23 : index
    %get3A_356 = arith.constant 0 : index
    %get3A_357 = arith.constant 0 : index
    %get3A_358 = vector.load %arg5[%get3A_355, %get3A_356, %get3A_357] : memref<30x64x64xf32, #tpu.memory_space<vmem>>, vector<1x64x64xf32>
    %get3A_359 = vector.shape_cast %get3A_358 : vector<1x64x64xf32> to vector<64x64xf32>
    %broadcast_in_dim3A_360 = vector.shape_cast %get3A_359 : vector<64x64xf32> to vector<1x64x64xf32>
    %mul3A_361 = vector.broadcast %reshape3A_354 : vector<8x1x1xf32> to vector<8x64x64xf32>
    %mul3A_362 = vector.broadcast %broadcast_in_dim3A_360 : vector<1x64x64xf32> to vector<8x64x64xf32>
    %mul3A_363 = arith.mulf %mul3A_361, %mul3A_362 : vector<8x64x64xf32>
    %max3A_364 = arith.maximumf %max3A_351, %mul3A_363 : vector<8x64x64xf32>
    %slice3A_365 = vector.extract_strided_slice %convert_element_type3A_4 {offsets = [0, 24], sizes = [8, 1], strides = [1, 1]} : vector<8x30xf32> to vector<8x1xf32>
    %squeeze3A_366 = vector.shape_cast %slice3A_365 : vector<8x1xf32> to vector<8xf32>
    %reshape3A_367 = vector.shape_cast %squeeze3A_366 : vector<8xf32> to vector<8x1x1xf32>
    %get3A_368 = arith.constant 24 : index
    %get3A_369 = arith.constant 0 : index
    %get3A_370 = arith.constant 0 : index
    %get3A_371 = vector.load %arg5[%get3A_368, %get3A_369, %get3A_370] : memref<30x64x64xf32, #tpu.memory_space<vmem>>, vector<1x64x64xf32>
    %get3A_372 = vector.shape_cast %get3A_371 : vector<1x64x64xf32> to vector<64x64xf32>
    %broadcast_in_dim3A_373 = vector.shape_cast %get3A_372 : vector<64x64xf32> to vector<1x64x64xf32>
    %mul3A_374 = vector.broadcast %reshape3A_367 : vector<8x1x1xf32> to vector<8x64x64xf32>
    %mul3A_375 = vector.broadcast %broadcast_in_dim3A_373 : vector<1x64x64xf32> to vector<8x64x64xf32>
    %mul3A_376 = arith.mulf %mul3A_374, %mul3A_375 : vector<8x64x64xf32>
    %max3A_377 = arith.maximumf %max3A_364, %mul3A_376 : vector<8x64x64xf32>
    %slice3A_378 = vector.extract_strided_slice %convert_element_type3A_4 {offsets = [0, 25], sizes = [8, 1], strides = [1, 1]} : vector<8x30xf32> to vector<8x1xf32>
    %squeeze3A_379 = vector.shape_cast %slice3A_378 : vector<8x1xf32> to vector<8xf32>
    %reshape3A_380 = vector.shape_cast %squeeze3A_379 : vector<8xf32> to vector<8x1x1xf32>
    %get3A_381 = arith.constant 25 : index
    %get3A_382 = arith.constant 0 : index
    %get3A_383 = arith.constant 0 : index
    %get3A_384 = vector.load %arg5[%get3A_381, %get3A_382, %get3A_383] : memref<30x64x64xf32, #tpu.memory_space<vmem>>, vector<1x64x64xf32>
    %get3A_385 = vector.shape_cast %get3A_384 : vector<1x64x64xf32> to vector<64x64xf32>
    %broadcast_in_dim3A_386 = vector.shape_cast %get3A_385 : vector<64x64xf32> to vector<1x64x64xf32>
    %mul3A_387 = vector.broadcast %reshape3A_380 : vector<8x1x1xf32> to vector<8x64x64xf32>
    %mul3A_388 = vector.broadcast %broadcast_in_dim3A_386 : vector<1x64x64xf32> to vector<8x64x64xf32>
    %mul3A_389 = arith.mulf %mul3A_387, %mul3A_388 : vector<8x64x64xf32>
    %max3A_390 = arith.maximumf %max3A_377, %mul3A_389 : vector<8x64x64xf32>
    %slice3A_391 = vector.extract_strided_slice %convert_element_type3A_4 {offsets = [0, 26], sizes = [8, 1], strides = [1, 1]} : vector<8x30xf32> to vector<8x1xf32>
    %squeeze3A_392 = vector.shape_cast %slice3A_391 : vector<8x1xf32> to vector<8xf32>
    %reshape3A_393 = vector.shape_cast %squeeze3A_392 : vector<8xf32> to vector<8x1x1xf32>
    %get3A_394 = arith.constant 26 : index
    %get3A_395 = arith.constant 0 : index
    %get3A_396 = arith.constant 0 : index
    %get3A_397 = vector.load %arg5[%get3A_394, %get3A_395, %get3A_396] : memref<30x64x64xf32, #tpu.memory_space<vmem>>, vector<1x64x64xf32>
    %get3A_398 = vector.shape_cast %get3A_397 : vector<1x64x64xf32> to vector<64x64xf32>
    %broadcast_in_dim3A_399 = vector.shape_cast %get3A_398 : vector<64x64xf32> to vector<1x64x64xf32>
    %mul3A_400 = vector.broadcast %reshape3A_393 : vector<8x1x1xf32> to vector<8x64x64xf32>
    %mul3A_401 = vector.broadcast %broadcast_in_dim3A_399 : vector<1x64x64xf32> to vector<8x64x64xf32>
    %mul3A_402 = arith.mulf %mul3A_400, %mul3A_401 : vector<8x64x64xf32>
    %max3A_403 = arith.maximumf %max3A_390, %mul3A_402 : vector<8x64x64xf32>
    %slice3A_404 = vector.extract_strided_slice %convert_element_type3A_4 {offsets = [0, 27], sizes = [8, 1], strides = [1, 1]} : vector<8x30xf32> to vector<8x1xf32>
    %squeeze3A_405 = vector.shape_cast %slice3A_404 : vector<8x1xf32> to vector<8xf32>
    %reshape3A_406 = vector.shape_cast %squeeze3A_405 : vector<8xf32> to vector<8x1x1xf32>
    %get3A_407 = arith.constant 27 : index
    %get3A_408 = arith.constant 0 : index
    %get3A_409 = arith.constant 0 : index
    %get3A_410 = vector.load %arg5[%get3A_407, %get3A_408, %get3A_409] : memref<30x64x64xf32, #tpu.memory_space<vmem>>, vector<1x64x64xf32>
    %get3A_411 = vector.shape_cast %get3A_410 : vector<1x64x64xf32> to vector<64x64xf32>
    %broadcast_in_dim3A_412 = vector.shape_cast %get3A_411 : vector<64x64xf32> to vector<1x64x64xf32>
    %mul3A_413 = vector.broadcast %reshape3A_406 : vector<8x1x1xf32> to vector<8x64x64xf32>
    %mul3A_414 = vector.broadcast %broadcast_in_dim3A_412 : vector<1x64x64xf32> to vector<8x64x64xf32>
    %mul3A_415 = arith.mulf %mul3A_413, %mul3A_414 : vector<8x64x64xf32>
    %max3A_416 = arith.maximumf %max3A_403, %mul3A_415 : vector<8x64x64xf32>
    %slice3A_417 = vector.extract_strided_slice %convert_element_type3A_4 {offsets = [0, 28], sizes = [8, 1], strides = [1, 1]} : vector<8x30xf32> to vector<8x1xf32>
    %squeeze3A_418 = vector.shape_cast %slice3A_417 : vector<8x1xf32> to vector<8xf32>
    %reshape3A_419 = vector.shape_cast %squeeze3A_418 : vector<8xf32> to vector<8x1x1xf32>
    %get3A_420 = arith.constant 28 : index
    %get3A_421 = arith.constant 0 : index
    %get3A_422 = arith.constant 0 : index
    %get3A_423 = vector.load %arg5[%get3A_420, %get3A_421, %get3A_422] : memref<30x64x64xf32, #tpu.memory_space<vmem>>, vector<1x64x64xf32>
    %get3A_424 = vector.shape_cast %get3A_423 : vector<1x64x64xf32> to vector<64x64xf32>
    %broadcast_in_dim3A_425 = vector.shape_cast %get3A_424 : vector<64x64xf32> to vector<1x64x64xf32>
    %mul3A_426 = vector.broadcast %reshape3A_419 : vector<8x1x1xf32> to vector<8x64x64xf32>
    %mul3A_427 = vector.broadcast %broadcast_in_dim3A_425 : vector<1x64x64xf32> to vector<8x64x64xf32>
    %mul3A_428 = arith.mulf %mul3A_426, %mul3A_427 : vector<8x64x64xf32>
    %max3A_429 = arith.maximumf %max3A_416, %mul3A_428 : vector<8x64x64xf32>
    %slice3A_430 = vector.extract_strided_slice %convert_element_type3A_4 {offsets = [0, 29], sizes = [8, 1], strides = [1, 1]} : vector<8x30xf32> to vector<8x1xf32>
    %squeeze3A_431 = vector.shape_cast %slice3A_430 : vector<8x1xf32> to vector<8xf32>
    %reshape3A_432 = vector.shape_cast %squeeze3A_431 : vector<8xf32> to vector<8x1x1xf32>
    %get3A_433 = arith.constant 29 : index
    %get3A_434 = arith.constant 0 : index
    %get3A_435 = arith.constant 0 : index
    %get3A_436 = vector.load %arg5[%get3A_433, %get3A_434, %get3A_435] : memref<30x64x64xf32, #tpu.memory_space<vmem>>, vector<1x64x64xf32>
    %get3A_437 = vector.shape_cast %get3A_436 : vector<1x64x64xf32> to vector<64x64xf32>
    %broadcast_in_dim3A_438 = vector.shape_cast %get3A_437 : vector<64x64xf32> to vector<1x64x64xf32>
    %mul3A_439 = vector.broadcast %reshape3A_432 : vector<8x1x1xf32> to vector<8x64x64xf32>
    %mul3A_440 = vector.broadcast %broadcast_in_dim3A_438 : vector<1x64x64xf32> to vector<8x64x64xf32>
    %mul3A_441 = arith.mulf %mul3A_439, %mul3A_440 : vector<8x64x64xf32>
    %max3A_442 = arith.maximumf %max3A_429, %mul3A_441 : vector<8x64x64xf32>
    %broadcast_in_dim3A_443 = vector.shape_cast %max3A_442 : vector<8x64x64xf32> to vector<8x1x64x64xf32>
    %get3A_444 = arith.constant 0 : index
    %get3A_445 = arith.constant 0 : index
    %get3A_446 = arith.constant 0 : index
    %get3A_447 = arith.constant 0 : index
    %get3A_448 = vector.load %arg1[%get3A_444, %get3A_445, %get3A_446, %get3A_447] : memref<8x12x64x64xf32, #tpu.memory_space<vmem>>, vector<8x12x64x64xf32>
    %concatenate3A = tpu.concatenate %broadcast_in_dim3A_443, %get3A_448 in 1 : vector<8x1x64x64xf32>, vector<8x12x64x64xf32> -> vector<8x13x64x64xf32>
    %reshape3A_449 = vector.shape_cast %concatenate3A : vector<8x13x64x64xf32> to vector<6656x64xf32>
    %dot_general3A_450 = arith.constant dense<0.000000e+00> : vector<6656x64xf32>
    %dot_general3A_451 = tpu.matmul %reshape3A_449, %get3A_56, %dot_general3A_450 {dimension_numbers = #tpu.dot_dimension_numbers<[1], [0], [0], [1], [0, 0, 1, 1], [], []>, transpose_lhs_hint = false} : vector<6656x64xf32>, vector<64x64xf32>, vector<6656x64xf32> -> vector<6656x64xf32>
    %reshape3A_452 = vector.shape_cast %dot_general3A_451 : vector<6656x64xf32> to vector<104x64x64xf32>
    %transpose3A = tpu.transpose %reshape3A_452, [0, 2, 1] : vector<104x64x64xf32> -> vector<104x64x64xf32>
    %reshape3A_453 = vector.shape_cast %transpose3A : vector<104x64x64xf32> to vector<6656x64xf32>
    %dot_general3A_454 = arith.constant dense<0.000000e+00> : vector<6656x64xf32>
    %dot_general3A_455 = tpu.matmul %reshape3A_453, %get3A_56, %dot_general3A_454 {dimension_numbers = #tpu.dot_dimension_numbers<[1], [0], [0], [1], [0, 0, 1, 1], [], []>, transpose_lhs_hint = false} : vector<6656x64xf32>, vector<64x64xf32>, vector<6656x64xf32> -> vector<6656x64xf32>
    %reshape3A_456 = vector.shape_cast %dot_general3A_455 : vector<6656x64xf32> to vector<104x64x64xf32>
    %transpose3A_457 = tpu.transpose %reshape3A_456, [0, 2, 1] : vector<104x64x64xf32> -> vector<104x64x64xf32>
    %reshape3A_458 = vector.shape_cast %transpose3A_457 : vector<104x64x64xf32> to vector<8x13x64x64xf32>
    %swap3A_459 = arith.constant 0 : index
    %swap3A_460 = arith.constant 0 : index
    %swap3A_461 = arith.constant 0 : index
    %swap3A_462 = arith.constant 0 : index
    %swap3A_463 = vector.load %arg10[%swap3A_459, %swap3A_460, %swap3A_461, %swap3A_462] : memref<8x13x64x64xf32, #tpu.memory_space<vmem>>, vector<8x13x64x64xf32>
    tpu.vector_store %arg10[%swap3A_459, %swap3A_460, %swap3A_461, %swap3A_462], %reshape3A_458 {strides = array<i32>} : memref<8x13x64x64xf32, #tpu.memory_space<vmem>>, vector<8x13x64x64xf32>,
    return
  }
  func.func @transform_0(%arg0: i32) -> (i32, i32, i32, i32) {
    %c0_i32 = arith.constant 0 : i32
    %c0_i32_0 = arith.constant 0 : i32
    %c0_i32_1 = arith.constant 0 : i32
    %c0_i32_2 = arith.constant 0 : i32
    return %arg0, %c0_i32, %c0_i32_0, %c0_i32_1 : i32, i32, i32, i32
  }
  func.func @transform_1(%arg0: i32) -> (i32, i32) {
    %c0_i32 = arith.constant 0 : i32
    %c0_i32_0 = arith.constant 0 : i32
    return %arg0, %c0_i32 : i32, i32
  }
  func.func @transform_2(%arg0: i32) -> (i32, i32) {
    %c0_i32 = arith.constant 0 : i32
    %c0_i32_0 = arith.constant 0 : i32
    return %arg0, %c0_i32 : i32, i32
  }
  func.func @transform_3(%arg0: i32) -> (i32, i32) {
    %c0_i32 = arith.constant 0 : i32
    %c0_i32_0 = arith.constant 0 : i32
    %c0_i32_1 = arith.constant 0 : i32
    return %c0_i32, %c0_i32_0 : i32, i32
  }
  func.func @transform_4(%arg0: i32) -> (i32, i32, i32) {
    %c0_i32 = arith.constant 0 : i32
    %c0_i32_0 = arith.constant 0 : i32
    %c0_i32_1 = arith.constant 0 : i32
    %c0_i32_2 = arith.constant 0 : i32
    return %c0_i32, %c0_i32_0, %c0_i32_1 : i32, i32, i32
  }
  func.func @transform_5(%arg0: i32) -> (i32, i32) {
    %c0_i32 = arith.constant 0 : i32
    %c0_i32_0 = arith.constant 0 : i32
    %c0_i32_1 = arith.constant 0 : i32
    return %c0_i32, %c0_i32_0 : i32, i32
  }
  func.func @transform_6(%arg0: i32) -> (i32, i32) {
    %c0_i32 = arith.constant 0 : i32
    %c0_i32_0 = arith.constant 0 : i32
    %c0_i32_1 = arith.constant 0 : i32
    return %c0_i32, %c0_i32_0 : i32, i32
  }
  func.func @transform_7(%arg0: i32) -> (i32, i32) {
    %c0_i32 = arith.constant 0 : i32
    %c0_i32_0 = arith.constant 0 : i32
    %c0_i32_1 = arith.constant 0 : i32
    return %c0_i32, %c0_i32_0 : i32, i32
  }
  func.func @transform_8(%arg0: i32) -> (i32, i32, i32) {
    %c0_i32 = arith.constant 0 : i32
    %c0_i32_0 = arith.constant 0 : i32
    %c0_i32_1 = arith.constant 0 : i32
    return %c0_i32, %arg0, %c0_i32_0 : i32, i32, i32
  }
  func.func @transform_9(%arg0: i32) -> (i32, i32, i32, i32) {
    %c0_i32 = arith.constant 0 : i32
    %c0_i32_0 = arith.constant 0 : i32
    %c0_i32_1 = arith.constant 0 : i32
    %c0_i32_2 = arith.constant 0 : i32
    return %arg0, %c0_i32, %c0_i32_0, %c0_i32_1 : i32, i32, i32, i32
  }
}

</mosaic_0001>

<sc_bundles>
// kernel: sparse-core-data-format-call.cloned.1.call-start
scs
called_computation_lowered:
.L_overlay_start_0:
0x0: {  	s2 =	sld [smem:$0x3FD9]  }
0x1: {  	s3 =	sld [smem:$0x3FFE];
	_ =	sdelay $0x1  }
0x2: {  	s1 =	srdreg.scid  }
0x3: {  	s0 =	sand.u32 $0x1, s1  }
0x4: {  	s18 =	sshll.u32 s0, $0xA;
	s2 =	sadd.s32 s3, s2  }
0x5: {  	s2 =	sadd.s32 s2, s18  }
0x6: {  	[smem:$0x3FC5] =	sst s2  }
0x7: {  	_ = 	snop  }
0x8: {  	s2 =	sld [smem:$0x3FD0];
	(tm) =	ssettm $0x1  }
0x9: {  	s19 =	sld [smem:$0x3FFB];
	_ =	sdelay $0x3  }
0xa: {  	_ =	strace s19  }
0xb: {  	s3 =	sld [smem:$0x3FFC];
	_ =	sdelay $0x3  }
0xc: {  	_ =	strace s3  }
0xd: {  	s3 =	sld [smem:$0x3FFD];
	_ =	sdelay $0x3  }
0xe: {  	_ =	strace s3  }
0xf: {  	_ =	strace $0x8FFFFFFF  }
0x10: {  	s20 =	sld [smem:$0x3FDB];
	_ =	sdelay $0x1  }
0x11: {  	s4 =	simm.s32 $_scs_section_size  }
0x12: {  	s5 =	simm.s32 $_size__tile_overlayer_lowered;
	s6 =	simm.s32 $_tile_overlayer_lowered  }
0x13: {  	s23 =	simm.s32 $0x1BFF;
	s22 =	sshll.u32 s6, $0x1;
	s3 =	sadd.s32 s4, s20  }
0x14: {  	s7 =	simm.s32 $0x0;
	s21 =	sshll.u32 s5, $0x1;
	s5 =	sadd.s32 s22, s3  }
0x15: {  	[timem:s7], [sflag:s23] =	dma.local [hbm:s5], s21  }
0x16: {  	_ =	swait.ge [sflag:s23], s21  }
0x17: {  	s4 =	ssub.s32 $0x0, s21;
	[sflag:s23] =	ssyncset.done $0x0  }
0x18: {  	[sflag:s23] =	ssyncadd.s32 s4;
	_ =	sdelay $0x1  }
0x19: {  	s24 =	simm.s32 $0x1B8B  }
0x1a: {  	_ =	swait.ge [sflag:s24], $0x1  }
0x1b: {  	[sflag:s24] =	ssyncset.done $0x0  }
0x1c: {  	s26 =	simm.s32 $0x1B8E;
	s25 =	sld [smem:$0x3FFE];
	[sflag:s24] =	ssyncadd.s32 $0xFFFFFFFF  }
0x1d: {  	s27 =	simm.s32 $execute0_lowered;
	[smem:$0x3FD2] =	sst s26  }
0x1e: {  	s5 =	sshll.u32 s27, $0x1;
	_ =	strace $0x80000046;
	[dreg:$0x1] =	wrdreg $0xFFFFFFFF  }
0x1f: {  	s28 =	simm.s32 $_size_execute0_lowered;
	s3 =	sadd.s32 s3, s5;
	[dreg:$0x0] =	wrdreg $0x0  }
0x20: {  	s5 =	sshll.u32 s28, $0x1;
	[dreg:$0x2] =	wrdreg s3  }
0x21: {  	[dreg:$0x3] =	wrdreg s5  }
0x22: {  	[dreg:$0x4] =	wrdreg $0xC0  }
0x23: {  	_ =	task [dreg:s7], $0x5FFFF  }
0x24: {  	[dreg:$0x1] =	wrdreg $0xFFFFFFFF  }
0x25: {  	[dreg:$0x0] =	wrdreg $0x60  }
0x26: {  	[dreg:$0x2] =	wrdreg s25  }
0x27: {  	[dreg:$0x3] =	wrdreg s2  }
0x28: {  	[dreg:$0x4] =	wrdreg $0x9  }
0x29: {  	_ =	task.clear_ibuf [dreg:s7], $0x5FFFF;
	_ =	strace $0x90000046  }
0x2a: {  	s29 =	simm.s32 $0x9;
	_ =	strace $0x80000048  }
0x2b: {  	_ =	swait.ge [sflag:s29], $0x1  }
0x2c: {  	[sflag:s29] =	ssyncadd.s32 $0xFFFFFFFF  }
0x2d: {  	_ =	strace $0x90000048  }
0x2e: {  	_ =	sfence  }
0x2f: {  	s30 =	sld [smem:$0x0];
	_ =	sdelay $0x2  }
0x30: {  	s31 =	sshll.u32 s1, $0xD;
	s1 =	sshrl.u32 s1, $0x2  }
0x31: {  	s3 =	sand.u32 $0x4000, s31;
	s1 =	sadd.s32 s1, s30  }
0x32: {  	s0 =	sor.u32 s3, s0;
	s1 =	sshll.u32 s1, $0x11  }
0x33: {  	s0 =	sor.u32 s1, s0  }
0x34: {  	s0 =	sadd.s32 $0x8F2B, s0  }
0x35: {  	[sflag:s0] =	ssyncadd.remote.s32 $0x1  }
0x36: {  	_ =	sfence.sel $0xFFFF  }
0x37: {  	[dreg:$0x0] =	wrdreg $0xFFFFFFFF;
	(pc) =	sbr.abs _section_cstart, $3  }
0x38: {  	[dreg:$0x1] =	wrdreg $0xFFFFFFFF  }
0x39: {  	_ =	task.clear_ibuf [dreg:s7], $0x2FFFF;
	_ =	strace $0x9FFFFFFF  }
0x3a: {  	(tm) =	ssettm $0x7FFFFFFF  }
0x3b: {  	_ =	shalt  }
tec
execute0_lowered:
.L_overlay_start_1:
0x0: {  	(tag) =	ssettag $0x1  }
0x1: {  	s4 =	rddreg [dreg:$0x0]  }
0x2: {  	s0 =	stileid.u32;
	s2 =	rddreg [dreg:$0x1]  }
0x3: {  	s1 =	rddreg [dreg:$0x2];
	_ =	strace $0x80000047;
	s5 =	srdreg.scid  }
0x4: {  	s31 =	simm.s32 $0x2;
	s14 =	simm.s32 $0x0;
	s9 =	simm.s32 $0x1000  }
0x5: {  	s16 =	simm.s32 $0x0;
	s15 =	simm.s32 $0x0;
	s3 =	sshll.u32 s0, $0x7  }
0x6: {  	s10 =	simm.s32 $0x0;
	s5 =	sshll.u32 s5, $0x4;
	s3 =	sand.u32 $0x180, s3  }
0x7: {  	s13 =	simm.s32 $0x0;
	s5 =	sand.u32 $0x10, s5;
	s6 =	ssub.s32 $0x200, s3  }
0x8: {  	s4 =	sadd.s32 $0xC81600, s4;
	s5 =	sor.u32 s0, s5;
	s7 =	sand.u32 $0x180, s6  }
.Ltmp0:
0x9: {  	p0 =	sne.s32 s7, $0x0;
	s7 =	simm.s32 $0x1;
	(pc) =	sbr.rel .LBB1_1-.Ltmp0, $4  }
0xa: {  	s12 =	smov.u32 s3;
	s8 =	sshrl.u32 s6, $0x9;
	s7 =	simm.s32 @!p0 $0x0  }
0xb: {  	s5 =	sshrl.u32 s5, $0x2;
	s6 =	simm.s32 $0x1;
	s7 =	sadd.s32 s7, s8  }
0xc: {  	[sflag:s6] =	ssyncpa.u1 $0x0;
	s11 =	smov.u32 s5;
	s7 =	sshll.u32 s7, $0x7  }
0xd: {  	[sflag:s31] =	ssyncpa.u1 $0x0;
	p0 =	por $0x0, $0x0;
	s8 =	sor.u32 $0x1, s7  }
.LBB1_4:
0xe: {  	s19 =	sand.u32 $0xF80, s15  }
0xf: {  	s16 =	sshll.u32 s16, $0x12;
	s20 =	sshrl.u32 s15, $0x3;
	s19 =	sadd.s32 s2, s19  }
0x10: {  	[tilespmem:s18+$0x810 ss:$0x81] =	vst.msk $0xffff, v2;
	s31 =	sand.u32 $0x7, s15;
	s20 =	sand.u32 $0xF, s20;
	s16 =	sadd.s32 s16, s19  }
0x11: {  	[tilespmem:s18+$0x1020 ss:$0x81] =	vst.msk $0xffff, v0;
	s14 =	sshll.u32 s14, $0xC;
	s15 =	sshll.u32 s31, $0x12;
	s16 =	sadd.s32 s20, s16  }
0x12: {  	[tilespmem:s18+$0x0 ss:$0x81] =	vst.msk $0xffff, v1;
	s15 =	sor.u32 $0x400, s15;
	s14 =	sadd.s32 s14, s16  }
0x13: {  	[hbm4b:s14+s15] =	stream.strided.scatter [tilespmem:s17], [sflag:$0x2], $0x2000, s9, s15, $0x20;
	[tilespmem:$0x8080] =	vst v63  }
.LBB1_5:
0x14: {  	s17 =	sadd.s32 $0x1, s10  }
0x15: {  	s14 =	sadd.s32 $0x8, s11;
	s18 =	smov.u32 s11;
	p2 =	sgt.s32 s17, $0x3F  }
0x16: {  	s18 =	smov.u32 @p2 s14  }
0x17: {  	s20 =	smov.u32 s12;
	s14 =	sadd.s32 $0x200, s12;
	p3 =	sgt.s32 s18, $0xF  }
0x18: {  	s20 =	smov.u32 @p3 s14  }
0x19: {  	s17 =	simm.s32 @p2 $0x0;
	p2 =	sgt.s32 s20, $0x1FF  }
0x1a: {  	p1 =	slt.u32 s13, $0x2;
	s20 =	smov.u32 @p2 s3;
	p2 =	sne.s32 s13, s8  }
.Ltmp1:
0x1b: {  	s19 =	simm.s32 @!p1 $0x2;
	(pc) =	sbr.rel @!p2 .LBB1_6-.Ltmp1, $4  }
0x1c: {  	s16 =	smov.u32 s11;
	s15 =	smov.u32 s12;
	_ =	swait.ge @!p1 [sflag:s19], $0x2000  }
0x1d: {  	p0 =	por !p0, !p0;
	[sflag:s19] =	ssyncset.done @!p1 $0x0;
	s18 =	smov.u32 @p3 s5  }
0x1e: {  	s14 =	smov.u32 s10;
	[sflag:s19] =	ssyncadd.s32 @!p1 $0xFFFFE000;
	s10 =	smov.u32 s17  }
0x1f: {  	s11 =	smov.u32 s18;
	s13 =	sadd.s32 $0x1, s13;
	s12 =	smov.u32 s20  }
.LBB1_1:
0x20: {  	p1 =	sge.u32 s13, s7;
	s31 =	sadd.s32 $0xFFFFFFFF, s13  }
0x21: {  	s17 =	sxor.u32 @!p1 $0xFFFFFFFF, s13;
	s18 =	sshll.u32 @!p1 s12, $0xE;
	s19 =	sshll.u32 @!p1 s11, $0xA  }
0x22: {  	s20 =	sshll.u32 @!p1 s10, $0x4;
	s17 =	sshll.u32 @!p1 s17, $0xD;
	s18 =	sadd.s32 @!p1 s4, s18  }
0x23: {  	s20 =	sand.u32 @!p1 $0x3F0, s20;
	s17 =	sand.u32 @!p1 $0x2000, s17;
	s18 =	sadd.s32 @!p1 s19, s18  }
0x24: {  	s19 =	simm.s32 @!p1 $0x40;
	s18 =	sadd.s32 @!p1 s20, s18;
	s20 =	simm.s32 @!p1 $0x20000  }
0x25: {  	[tilespmem:s17], [sflag:$0x1] =	stream.strided.gather @!p1 [hbm4b:s18+s19], $0x2000, s20, s19, $0x38;
	[tilespmem:$0x8080] =	vst v63  }
0x26: {  	p1 =	sge.u32 s31, s7  }
.Ltmp2:
0x27: {  	_ = 	snop;
	(pc) =	sbr.rel @p1 .LBB1_5-.Ltmp2, $1  }
0x28: {  	_ =	sdelay $0x3  }
0x29: {  	s17 =	simm.s32 $0x1  }
0x2a: {  	_ =	swait.ge [sflag:s6], $0x2000;
	s17 =	simm.s32 @!p0 $0x0  }
0x2b: {  	[sflag:s6] =	ssyncset.done $0x0;
	s18 =	sshll.u32 s17, $0xD  }
0x2c: {  	[sflag:s6] =	ssyncadd.s32 $0xFFFFE000;
	s21 =	sor.u32 $0x20, s18  }
0x2d: {  	s17 =	smul.u32 $0x8100, s17;
	v3 =	vld [tilespmem:s21+$0x10]  }
0x2e: {  	s30 =	sand.u32 $0x1, s13;
	v2 =	vld [tilespmem:s21+$0xFFFFFFF0]  }
0x2f: {  	s18 =	smul.u32 $0x8100, s30;
	s17 =	sshrl.u32 s17, $0x2;
	v0 =	vld [tilespmem:s21+$0x0]  }
0x30: {  	v1 =	vld [tilespmem:s21+$0xFFFFFFE0];
	s19 =	sor.u32 $0x4000, s17  }
0x31: {  	s31 =	sshrl.u32 s18, $0x2;
	s18 =	sadd.s32 $0x0, s19  }
0x32: {  	s20 =	simm.s32 $0x4;
	s21 =	sadd.s32 $0x40, s21;
	s17 =	sor.u32 $0x4000, s31;
	[tilespmem:s18+$0x1830 ss:$0x81] =	vst.msk $0xffff, v3  }
.LBB1_3:
0x33: {  	v3 =	vld [tilespmem:s21+$0x10];
	p1 =	sne.s32 s20, $0x1FC;
	[tilespmem:s18+$0x810 ss:$0x81] =	vst.msk $0xffff, v2;
	s22 =	smov.u32 s20;
	s20 =	sadd.s32 $0x4, s20  }
.Ltmp3:
0x34: {  	v2 =	vld [tilespmem:s21+$0xFFFFFFF0];
	[tilespmem:s18+$0x1020 ss:$0x81] =	vst.msk $0xffff, v0;
	(pc) =	sbr.rel @p1 .LBB1_3-.Ltmp3, $4  }
0x35: {  	v0 =	vld [tilespmem:s21+$0x0];
	[tilespmem:s18+$0x0 ss:$0x81] =	vst.msk $0xffff, v1  }
0x36: {  	s18 =	sshra.s32 s22, $0x2;
	v1 =	vld [tilespmem:s21+$0xFFFFFFE0]  }
0x37: {  	s18 =	sadd.s32 s18, s19  }
0x38: {  	s21 =	sadd.s32 $0x40, s21;
	[tilespmem:s18+$0x1830 ss:$0x81] =	vst.msk $0xffff, v3  }
.Ltmp4:
0x39: {  	_ = 	snop;
	(pc) =	sbr.rel .LBB1_4-.Ltmp4, $1  }
0x3a: {  	_ =	sdelay $0x3  }
.LBB1_6:
0x3b: {  	_ =	sfence.sel $0x180000  }
0x3c: {  	s2 =	simm.s32 $0x1;
	[bflag:$0x0] =	sbarrier.arrive $0xFFFF  }
0x3d: {  	s31 =	simm.s32 $0x2;
	[sflag:s2] =	ssyncpa.u1 $0x1  }
0x3e: {  	[sflag:s31] =	ssyncpa.u1 $0x1  }
0x3f: {  	p0 =	sne.s32 s0, $0x0;
	_ =	strace $0x90000047  }
0x40: {  	s0 =	sadd.s32 @!p0 $0x100000, s1;
	[bflag:$0x2] =	sbarrier.arrive $0xFFFF  }
0x41: {  	[sflag:s0] =	ssyncadd.tile.s32 @!p0 $0x1;
	_ =	shalt  }
.Lfunc_end1:
_tile_overlayer_lowered:
.L_overlay_start_2:
0x42: {  	(tag) =	ssettag $0x2  }
0x43: {  	s0 =	rddreg [dreg:$0x0];
	s2 =	stileid.u32  }
0x44: {  	s1 =	rddreg [dreg:$0x1];
	p0 =	sne.s32 s2, $0x0  }
0x45: {  	s3 =	rddreg [dreg:$0x2];
	[bflag:$0x3] =	sbarrier.arrive $0xFFFF;
	s2 =	simm.s32 @!p0 $0x1C01  }
0x46: {  	[timem:s3], [sflag:s2] =	dma.local @!p0 [hbm:s0], s1  }
0x47: {  	s0 =	simm.s32 @!p0 $0x1  }
0x48: {  	_ =	swait.ge @!p0 [sflag:s0], s1  }
0x49: {  	s1 =	ssub.s32 @!p0 $0x0, s1;
	[sflag:s0] =	ssyncset.done @!p0 $0x0  }
0x4a: {  	[sflag:s0] =	ssyncadd.s32 @!p0 s1  }
0x4b: {  	[bflag:$0x3] =	sbarrier.arrive $0xFFFF  }
0x4c: {  	_ =	shalt  }

</sc_bundles>
